<compile_context>
chip_gen: v7x
topology: tpu7x:2x2x1
jax: 0.10.2.dev20260603
libtpu: 0.0.44.dev20260713+nightly
codegen_flags: <defaults>
</compile_context>

<pallas_src>
import functools

import jax
import jax.numpy as jnp
import numpy as np
from jax import lax
from jax.experimental import pallas as pl
from jax.experimental.pallas import tpu as pltpu
from jax.experimental.pallas import tpu_sc as plsc

_STRIDES = (4, 8, 16, 32, 64)
_NMS_POST = 1000
_IOU_THR = 0.7

_LVL_N = (49152, 12288, 3072, 768, 192)
_LVL_BASE = (0, 49152, 61440, 64512, 65280)
_N_ALL = 65472
_K = 1000

_OUT_BASE = (0, 1008, 2016, 3024, 3792)
_OUT_N = (1008, 1008, 1008, 768, 304)
_KEEP_N = (1000, 1000, 1000, 768, 192)
_M_PAD = 4096
_NMS_R, _NMS_C = 8, 512
_N0 = 1008

_PREV_K = (0, 1000, 2000, 3000, 3768)


def _conv_x(x, w, b, pad):
    y = jax.lax.conv_general_dilated(
        x, w, (1, 1), [(pad, pad), (pad, pad)],
        dimension_numbers=('NCHW', 'OIHW', 'NCHW'))
    return y + b.reshape(1, -1, 1, 1)


def _anchors_for(Hf, Wf, stride):
    ratios = jnp.array([0.5, 1.0, 2.0], dtype=jnp.float32)
    scale = 8.0
    h_r = jnp.sqrt(ratios)
    w_r = 1.0 / h_r
    ws = stride * scale * w_r
    hs = stride * scale * h_r
    base = jnp.stack([-0.5 * ws, -0.5 * hs, 0.5 * ws, 0.5 * hs], axis=1)
    sx = jnp.arange(Wf, dtype=jnp.float32) * stride
    sy = jnp.arange(Hf, dtype=jnp.float32) * stride
    yy, xx = jnp.meshgrid(sy, sx, indexing='ij')
    shifts = jnp.stack([xx.ravel(), yy.ravel(), xx.ravel(), yy.ravel()], axis=1)
    return (shifts[:, None, :] + base[None, :, :]).reshape(-1, 4)


def _decode(anchors, deltas, max_h, max_w):
    px = (anchors[:, 0] + anchors[:, 2]) * 0.5
    py = (anchors[:, 1] + anchors[:, 3]) * 0.5
    pw = anchors[:, 2] - anchors[:, 0]
    ph = anchors[:, 3] - anchors[:, 1]
    dx, dy, dw, dh = deltas[:, 0], deltas[:, 1], deltas[:, 2], deltas[:, 3]
    max_ratio = float(np.abs(np.log(16.0 / 1000.0)))
    dw = jnp.clip(dw, -max_ratio, max_ratio)
    dh = jnp.clip(dh, -max_ratio, max_ratio)
    gw = pw * jnp.exp(dw)
    gh = ph * jnp.exp(dh)
    gx = px + pw * dx
    gy = py + ph * dy
    x1 = jnp.clip(gx - 0.5 * gw, 0.0, max_w)
    y1 = jnp.clip(gy - 0.5 * gh, 0.0, max_h)
    x2 = jnp.clip(gx + 0.5 * gw, 0.0, max_w)
    y2 = jnp.clip(gy + 0.5 * gh, 0.0, max_h)
    return jnp.stack([x1, y1, x2, y2], axis=1)



def _thresh_body(s0_ref, s1_ref, s2_ref, out_ref):
    b0 = lax.bitcast_convert_type(s0_ref[...], jnp.int32)
    b1 = lax.bitcast_convert_type(s1_ref[...], jnp.int32)
    b2 = lax.bitcast_convert_type(s2_ref[...], jnp.int32)

    def it(_, st):
        lo0, hi0, lo1, hi1, lo2, hi2 = st
        m0 = lo0 + (hi0 - lo0) // 2
        m1 = lo1 + (hi1 - lo1) // 2
        m2 = lo2 + (hi2 - lo2) // 2
        c0 = jnp.sum((b0 >= m0).astype(jnp.int32))
        c1 = jnp.sum((b1 >= m1).astype(jnp.int32))
        c2 = jnp.sum((b2 >= m2).astype(jnp.int32))
        p0 = c0 >= _K
        p1 = c1 >= _K
        p2 = c2 >= _K
        return (jnp.where(p0, m0, lo0), jnp.where(p0, hi0, m0),
                jnp.where(p1, m1, lo1), jnp.where(p1, hi1, m1),
                jnp.where(p2, m2, lo2), jnp.where(p2, hi2, m2))

    one = jnp.int32(1)
    top = jnp.int32(0x3F800001)
    lo0, _, lo1, _, lo2, _ = lax.fori_loop(
        0, 31, it, (one, top, one, top, one, top))
    t0 = lax.bitcast_convert_type(lo0, jnp.float32)
    t1 = lax.bitcast_convert_type(lo1, jnp.float32)
    t2 = lax.bitcast_convert_type(lo2, jnp.float32)
    lane = jax.lax.broadcasted_iota(jnp.int32, (8, 128), 1)
    tiny = jnp.float32(1e-35)
    row = jnp.where(lane == 0, t0,
                    jnp.where(lane == 1, t1,
                              jnp.where(lane == 2, t2, tiny)))
    out_ref[...] = row


def _thresholds(s_all):
    s0 = s_all[0:49152].reshape(8, 6144)
    s1 = s_all[49152:61440].reshape(8, 1536)
    s2 = s_all[61440:64512].reshape(8, 384)
    out = pl.pallas_call(
        _thresh_body,
        out_shape=jax.ShapeDtypeStruct((8, 128), jnp.float32),
    )(s0, s1, s2)
    tiny = jnp.float32(1e-35)
    thr5 = jnp.stack([out[0, 0], out[0, 1], out[0, 2], tiny, tiny])
    return jnp.broadcast_to(thr5.reshape(5, 1), (5, 16)).astype(jnp.float32)



def _sc_gather_kernel(s_hbm, x1_hbm, y1_hbm, x2_hbm, y2_hbm, idx_hbm,
                      s_out, x1_out, y1_out, x2_out, y2_out,
                      idx_v, g_s, g_x1, g_y1, g_x2, g_y2, sem):
    c = lax.axis_index("c")
    s_id = lax.axis_index("s")
    wid = s_id * 2 + c
    base = wid * 128
    pltpu.sync_copy(idx_hbm.at[pl.ds(base, 128)], idx_v)
    cps = [pltpu.async_copy(s_hbm.at[idx_v], g_s, sem),
           pltpu.async_copy(x1_hbm.at[idx_v], g_x1, sem),
           pltpu.async_copy(y1_hbm.at[idx_v], g_y1, sem),
           pltpu.async_copy(x2_hbm.at[idx_v], g_x2, sem),
           pltpu.async_copy(y2_hbm.at[idx_v], g_y2, sem)]
    for cp in cps:
        cp.wait()
    pltpu.sync_copy(g_s, s_out.at[pl.ds(base, 128)])
    pltpu.sync_copy(g_x1, x1_out.at[pl.ds(base, 128)])
    pltpu.sync_copy(g_y1, y1_out.at[pl.ds(base, 128)])
    pltpu.sync_copy(g_x2, x2_out.at[pl.ds(base, 128)])
    pltpu.sync_copy(g_y2, y2_out.at[pl.ds(base, 128)])


def _sc_gather(s_all, x1, y1, x2, y2, idx):
    fvec = jax.ShapeDtypeStruct((_M_PAD,), jnp.float32)
    mesh = plsc.VectorSubcoreMesh(core_axis_name="c", subcore_axis_name="s")
    kern = functools.partial(
        pl.kernel,
        out_type=[fvec, fvec, fvec, fvec, fvec],
        mesh=mesh,
        scratch_types=[pltpu.VMEM((128,), jnp.int32)]
                      + [pltpu.VMEM((128,), jnp.float32)] * 5
                      + [pltpu.SemaphoreType.DMA],
    )(_sc_gather_kernel)
    return kern(s_all, x1, y1, x2, y2, idx)



def _nms_body(s_ref, x1_ref, y1_ref, x2_ref, y2_ref, out_ref):
    shape = (_NMS_R, _NMS_C)
    s = s_ref[...]
    x1 = x1_ref[...]
    y1 = y1_ref[...]
    x2 = x2_ref[...]
    y2 = y2_ref[...]
    flat = (jax.lax.broadcasted_iota(jnp.int32, shape, 0) * _NMS_C
            + jax.lax.broadcasted_iota(jnp.int32, shape, 1))
    hole = (((flat >= 1000) & (flat < 1008))
            | ((flat >= 2008) & (flat < 2016))
            | ((flat >= 3016) & (flat < 3024))
            | (flat >= 3984))
    s = jnp.where(hole, jnp.float32(-jnp.inf), s)
    areas = (x2 - x1) * (y2 - y1)
    neg = jnp.float32(-jnp.inf)
    big = jnp.int32(2 ** 30)

    mask0 = flat < _N0
    s0 = jnp.where(mask0, s, neg)
    m0 = jnp.max(s0)
    j0 = jnp.min(jnp.where(mask0 & (s0 == m0), flat, big))

    lane4 = jax.lax.broadcasted_iota(jnp.int32, (1, 4), 1)

    def body(i, sw):
        m = jnp.max(sw)
        j = jnp.min(jnp.where(sw == m, flat, big))
        jj = jnp.where(m == neg, j0, j)
        pick = flat == jj
        xb1 = jnp.max(jnp.where(pick, x1, neg))
        yb1 = jnp.max(jnp.where(pick, y1, neg))
        xb2 = jnp.max(jnp.where(pick, x2, neg))
        yb2 = jnp.max(jnp.where(pick, y2, neg))
        ab = (xb2 - xb1) * (yb2 - yb1)
        iw = jnp.maximum(jnp.minimum(x2, xb2) - jnp.maximum(x1, xb1), 0.0)
        ih = jnp.maximum(jnp.minimum(y2, yb2) - jnp.maximum(y1, yb1), 0.0)
        inter = iw * ih
        iou = inter / (areas + ab - inter + jnp.float32(1e-9))
        sw = jnp.where((iou > jnp.float32(_IOU_THR)) | pick, neg, sw)
        row = jnp.where(lane4 == 0, xb1,
                        jnp.where(lane4 == 1, yb1,
                                  jnp.where(lane4 == 2, xb2, yb2)))
        out_ref[pl.ds(i, 1), :] = row
        return sw

    jax.lax.fori_loop(0, _NMS_POST, body, s)


def _nms_pallas(s, x1, y1, x2, y2):
    return pl.pallas_call(
        _nms_body,
        out_shape=jax.ShapeDtypeStruct((_NMS_POST, 4), jnp.float32),
    )(s.reshape(_NMS_R, _NMS_C), x1.reshape(_NMS_R, _NMS_C),
      y1.reshape(_NMS_R, _NMS_C), x2.reshape(_NMS_R, _NMS_C),
      y2.reshape(_NMS_R, _NMS_C))


def kernel(feat0, feat1, feat2, feat3, feat4, x, W_conv, b_conv,
           W_cls, b_cls, W_reg, b_reg):
    img_h = float(x.shape[2])
    img_w = float(x.shape[3])
    feats = (feat0, feat1, feat2, feat3, feat4)
    sc_l, x1_l, y1_l, x2_l, y2_l = [], [], [], [], []
    for feat, stride in zip(feats, _STRIDES):
        t = jax.nn.relu(_conv_x(feat, W_conv, b_conv, 1))
        cls = _conv_x(t, W_cls, b_cls, 0)
        reg = _conv_x(t, W_reg, b_reg, 0)
        Hf, Wf = feat.shape[2], feat.shape[3]
        anchors = _anchors_for(Hf, Wf, float(stride))
        scores = jax.nn.sigmoid(cls.transpose(0, 2, 3, 1).reshape(-1))
        deltas = reg.transpose(0, 2, 3, 1).reshape(-1, 4)
        props = _decode(anchors, deltas, img_h, img_w)
        sc_l.append(scores)
        x1_l.append(props[:, 0])
        y1_l.append(props[:, 1])
        x2_l.append(props[:, 2])
        y2_l.append(props[:, 3])
    s_all = jnp.concatenate(sc_l)
    x1a = jnp.concatenate(x1_l)
    y1a = jnp.concatenate(y1_l)
    x2a = jnp.concatenate(x2_l)
    y2a = jnp.concatenate(y2_l)
    thr = _thresholds(s_all)
    thr_elem = jnp.concatenate(
        [jnp.full((_LVL_N[l],), thr[l, 0], jnp.float32) for l in range(5)])
    mask = s_all >= thr_elem
    csum = jnp.cumsum(mask.astype(jnp.int32))
    adjust = jnp.concatenate(
        [jnp.full((_LVL_N[l],), _OUT_BASE[l] - _PREV_K[l], jnp.int32)
         for l in range(5)])
    target = jnp.where(mask, csum - 1 + adjust, _M_PAD)
    src_iota = jnp.arange(_N_ALL, dtype=jnp.int32)
    idx = jnp.zeros((_M_PAD,), jnp.int32).at[target].set(src_iota, mode="drop")
    cs, cx1, cy1, cx2, cy2 = _sc_gather(s_all, x1a, y1a, x2a, y2a, idx)
    kept = _nms_pallas(cs, cx1, cy1, cx2, cy2)
    return kept[None]

# --- scband reference (transcript-rebuilt; emitter-appended) ---
"""Pipeline reference for scband-rpnhead-wraper-1202590843768 (READ-ONLY COPY).

The authoritative reference and input builder live on the scoring server;
editing this copy changes nothing except your own understanding.
"""

import jax, jax.numpy as jnp
import numpy as np

STRIDES = (4, 8, 16, 32, 64)
NMS_PRE = 1000
NMS_POST = 1000
IOU_THR = 0.7

def _conv(x, w, b, pad):
    y = jax.lax.conv_general_dilated(x, w, (1, 1), [(pad, pad), (pad, pad)], dimension_numbers=('NCHW', 'OIHW', 'NCHW'))
    return y + b.reshape(1, -1, 1, 1)

def _grid_anchors(Hf, Wf, stride):
    ratios = jnp.array([0.5, 1.0, 2.0], dtype=jnp.float32)
    scale = 8.0
    h_r = jnp.sqrt(ratios)
    w_r = 1.0 / h_r
    ws = stride * scale * w_r
    hs = stride * scale * h_r
    base = jnp.stack([-0.5 * ws, -0.5 * hs, 0.5 * ws, 0.5 * hs], axis=1)
    sx = jnp.arange(Wf, dtype=jnp.float32) * stride
    sy = jnp.arange(Hf, dtype=jnp.float32) * stride
    yy, xx = jnp.meshgrid(sy, sx, indexing='ij')
    shifts = jnp.stack([xx.ravel(), yy.ravel(), xx.ravel(), yy.ravel()], axis=1)
    return (shifts[:, None, :] + base[None, :, :]).reshape(-1, 4)

def _delta2bbox(anchors, deltas, max_h, max_w):
    px = (anchors[:, 0] + anchors[:, 2]) * 0.5
    py = (anchors[:, 1] + anchors[:, 3]) * 0.5
    pw = anchors[:, 2] - anchors[:, 0]
    ph = anchors[:, 3] - anchors[:, 1]
    dx, dy, dw, dh = deltas[:, 0], deltas[:, 1], deltas[:, 2], deltas[:, 3]
    max_ratio = float(np.abs(np.log(16.0 / 1000.0)))
    dw = jnp.clip(dw, -max_ratio, max_ratio)
    dh = jnp.clip(dh, -max_ratio, max_ratio)
    gw = pw * jnp.exp(dw)
    gh = ph * jnp.exp(dh)
    gx = px + pw * dx
    gy = py + ph * dy
    x1 = jnp.clip(gx - 0.5 * gw, 0.0, max_w)
    y1 = jnp.clip(gy - 0.5 * gh, 0.0, max_h)
    x2 = jnp.clip(gx + 0.5 * gw, 0.0, max_w)
    y2 = jnp.clip(gy + 0.5 * gh, 0.0, max_h)
    return jnp.stack([x1, y1, x2, y2], axis=1)

def _nms(boxes, scores, thr, max_out):
    x1, y1, x2, y2 = boxes[:, 0], boxes[:, 1], boxes[:, 2], boxes[:, 3]
    areas = (x2 - x1) * (y2 - y1)
    def step(sw, _):
        j = jnp.argmax(sw)
        iw = jnp.maximum(jnp.minimum(x2, x2[j]) - jnp.maximum(x1, x1[j]), 0.0)
        ih = jnp.maximum(jnp.minimum(y2, y2[j]) - jnp.maximum(y1, y1[j]), 0.0)
        inter = iw * ih
        iou = inter / (areas + areas[j] - inter + 1e-9)
        sw2 = jnp.where(iou > thr, -jnp.inf, sw)
        sw2 = sw2.at[j].set(-jnp.inf)
        return sw2, j
    _, keep = jax.lax.scan(step, scores, None, length=max_out)
    return boxes[keep]

def setup_inputs(seed: int = 0):
    key = jax.random.key(seed)
    ks = jax.random.split(key, 16)
    inp = {}
    sizes = [(128, 128), (64, 64), (32, 32), (16, 16), (8, 8)]
    for i, (h, w) in enumerate(sizes):
        inp['feat%d' % i] = jax.random.normal(ks[i], (1, 256, h, w), dtype=jnp.float32)
    inp['x'] = jax.random.normal(ks[5], (1, 3, 512, 512), dtype=jnp.float32)
    inp['W_conv'] = jax.random.normal(ks[6], (256, 256, 3, 3), dtype=jnp.float32) * 0.02
    inp['b_conv'] = jnp.zeros((256,), dtype=jnp.float32)
    inp['W_cls'] = jax.random.normal(ks[7], (3, 256, 1, 1), dtype=jnp.float32) * 0.02
    inp['b_cls'] = jnp.zeros((3,), dtype=jnp.float32)
    inp['W_reg'] = jax.random.normal(ks[8], (12, 256, 1, 1), dtype=jnp.float32) * 0.02
    inp['b_reg'] = jnp.zeros((12,), dtype=jnp.float32)
    return inp

def _forward(feats, x, W_conv, b_conv, W_cls, b_cls, W_reg, b_reg):
    img_h = float(x.shape[2])
    img_w = float(x.shape[3])
    mlvl_scores = []
    mlvl_props = []
    for feat, stride in zip(feats, STRIDES):
        t = jax.nn.relu(_conv(feat, W_conv, b_conv, 1))
        cls = _conv(t, W_cls, b_cls, 0)
        reg = _conv(t, W_reg, b_reg, 0)
        Hf, Wf = feat.shape[2], feat.shape[3]
        anchors = _grid_anchors(Hf, Wf, float(stride))
        scores = jax.nn.sigmoid(cls.transpose(0, 2, 3, 1).reshape(-1))
        deltas = reg.transpose(0, 2, 3, 1).reshape(-1, 4)
        props = _delta2bbox(anchors, deltas, img_h, img_w)
        k = min(NMS_PRE, int(scores.shape[0]))
        top_s, top_i = jax.lax.top_k(scores, k)
        mlvl_scores.append(top_s)
        mlvl_props.append(props[top_i])
    all_scores = jnp.concatenate(mlvl_scores, axis=0)
    all_props = jnp.concatenate(mlvl_props, axis=0)
    kept = _nms(all_props, all_scores, IOU_THR, NMS_POST)
    return kept[None]

def reference(feat0, feat1, feat2, feat3, feat4, x, W_conv, b_conv, W_cls, b_cls, W_reg, b_reg):
    return _forward((feat0, feat1, feat2, feat3, feat4), x, W_conv, b_conv, W_cls, b_cls, W_reg, b_reg)

if __name__ == "__main__":
    import jax
    _d = setup_inputs()
    print(jax.jit(kernel)(*tuple(_d.values())))

</pallas_src>

<mosaic_0001>
#map = affine_map<(d0, d1) -> (0)>
module attributes {stable_mosaic.version = 14 : i64} {
  func.func @_sc_gather_kernel(%arg0: i32, %arg1: i32, %arg2: memref<65472xf32, #tpu.memory_space<hbm>>, %arg3: memref<65472xf32, #tpu.memory_space<hbm>>, %arg4: memref<65472xf32, #tpu.memory_space<hbm>>, %arg5: memref<65472xf32, #tpu.memory_space<hbm>>, %arg6: memref<65472xf32, #tpu.memory_space<hbm>>, %arg7: memref<4096xi32, #tpu.memory_space<hbm>>, %arg8: memref<4096xf32, #tpu.memory_space<hbm>>, %arg9: memref<4096xf32, #tpu.memory_space<hbm>>, %arg10: memref<4096xf32, #tpu.memory_space<hbm>>, %arg11: memref<4096xf32, #tpu.memory_space<hbm>>, %arg12: memref<4096xf32, #tpu.memory_space<hbm>>, %arg13: memref<128xi32, #tpu.memory_space<vmem>>, %arg14: memref<128xf32, #tpu.memory_space<vmem>>, %arg15: memref<128xf32, #tpu.memory_space<vmem>>, %arg16: memref<128xf32, #tpu.memory_space<vmem>>, %arg17: memref<128xf32, #tpu.memory_space<vmem>>, %arg18: memref<128xf32, #tpu.memory_space<vmem>>, %arg19: memref<!tpu.dma_semaphore, #tpu.memory_space<semaphore_mem>>) attributes {dimension_semantics = [#tpu.dimension_semantics<core_parallel>, #tpu.dimension_semantics<subcore_parallel>], iteration_bounds = array<i64: 2, 16>, scalar_prefetch = 0 : i64, scratch_operands = 7 : i64, tpu.core_type = #tpu.core_type<sc_vector_subcore>, window_params = [{transform_indices = #map}, {transform_indices = #map}, {transform_indices = #map}, {transform_indices = #map}, {transform_indices = #map}, {transform_indices = #map}, {transform_indices = #map}, {transform_indices = #map}, {transform_indices = #map}, {transform_indices = #map}, {transform_indices = #map}]} {
    %mul3A = arith.constant 2 : i32
    %mul3A_0 = arith.muli %arg1, %mul3A : i32
    %add3A = arith.addi %mul3A_0, %arg0 : i32
    %mul3A_1 = arith.constant 128 : i32
    %mul3A_2 = arith.muli %add3A, %mul3A_1 : i32
    "tpu.region"() ({
      %run_scoped3A = tpu.sem_alloc : memref<!tpu.dma_semaphore, #tpu.memory_space<semaphore_mem>>
      %dma_start3A_21 = tpu.memref_slice %arg7[%mul3A_2] : memref<4096xi32, #tpu.memory_space<hbm>> -> memref<128xi32, #tpu.memory_space<hbm>>
      %dma_start3A_22 = tpu.memref_slice %arg7[%mul3A_2] : memref<4096xi32, #tpu.memory_space<hbm>> -> memref<128xi32, #tpu.memory_space<hbm>>
      tpu.enqueue_dma source(%dma_start3A_22 : memref<128xi32, #tpu.memory_space<hbm>>) target(%arg13 : memref<128xi32, #tpu.memory_space<vmem>>) target_semaphore(%run_scoped3A : memref<!tpu.dma_semaphore, #tpu.memory_space<semaphore_mem>>)
      %dma_wait3A_23 = tpu.memref_slice %arg7[%mul3A_2] : memref<4096xi32, #tpu.memory_space<hbm>> -> memref<128xi32, #tpu.memory_space<hbm>>
      %dma_wait3A_24 = tpu.memref_slice %arg7[%mul3A_2] : memref<4096xi32, #tpu.memory_space<hbm>> -> memref<128xi32, #tpu.memory_space<hbm>>
      tpu.wait_dma2 semaphore(%run_scoped3A : memref<!tpu.dma_semaphore, #tpu.memory_space<semaphore_mem>>) src(%dma_wait3A_24 : memref<128xi32, #tpu.memory_space<hbm>>) dst(%arg13 : memref<128xi32, #tpu.memory_space<vmem>>)
      tpu.yield
    }) : () -> ()
    %dma_start3A = arith.constant 0 : i32
    %dma_start3A_3 = tpu.memref_slice %arg2[%dma_start3A] : memref<65472xf32, #tpu.memory_space<hbm>> -> memref<65472xf32, #tpu.memory_space<hbm>>
    tpu.enqueue_indirect_dma source(%dma_start3A_3 : memref<65472xf32, #tpu.memory_space<hbm>>) target(%arg14 : memref<128xf32, #tpu.memory_space<vmem>>) offsets(%arg13 : memref<128xi32, #tpu.memory_space<vmem>>) semaphore(%arg19 : memref<!tpu.dma_semaphore, #tpu.memory_space<semaphore_mem>>)
    %dma_start3A_4 = arith.constant 0 : i32
    %dma_start3A_5 = tpu.memref_slice %arg3[%dma_start3A_4] : memref<65472xf32, #tpu.memory_space<hbm>> -> memref<65472xf32, #tpu.memory_space<hbm>>
    tpu.enqueue_indirect_dma source(%dma_start3A_5 : memref<65472xf32, #tpu.memory_space<hbm>>) target(%arg15 : memref<128xf32, #tpu.memory_space<vmem>>) offsets(%arg13 : memref<128xi32, #tpu.memory_space<vmem>>) semaphore(%arg19 : memref<!tpu.dma_semaphore, #tpu.memory_space<semaphore_mem>>)
    %dma_start3A_6 = arith.constant 0 : i32
    %dma_start3A_7 = tpu.memref_slice %arg4[%dma_start3A_6] : memref<65472xf32, #tpu.memory_space<hbm>> -> memref<65472xf32, #tpu.memory_space<hbm>>
    tpu.enqueue_indirect_dma source(%dma_start3A_7 : memref<65472xf32, #tpu.memory_space<hbm>>) target(%arg16 : memref<128xf32, #tpu.memory_space<vmem>>) offsets(%arg13 : memref<128xi32, #tpu.memory_space<vmem>>) semaphore(%arg19 : memref<!tpu.dma_semaphore, #tpu.memory_space<semaphore_mem>>)
    %dma_start3A_8 = arith.constant 0 : i32
    %dma_start3A_9 = tpu.memref_slice %arg5[%dma_start3A_8] : memref<65472xf32, #tpu.memory_space<hbm>> -> memref<65472xf32, #tpu.memory_space<hbm>>
    tpu.enqueue_indirect_dma source(%dma_start3A_9 : memref<65472xf32, #tpu.memory_space<hbm>>) target(%arg17 : memref<128xf32, #tpu.memory_space<vmem>>) offsets(%arg13 : memref<128xi32, #tpu.memory_space<vmem>>) semaphore(%arg19 : memref<!tpu.dma_semaphore, #tpu.memory_space<semaphore_mem>>)
    %dma_start3A_10 = arith.constant 0 : i32
    %dma_start3A_11 = tpu.memref_slice %arg6[%dma_start3A_10] : memref<65472xf32, #tpu.memory_space<hbm>> -> memref<65472xf32, #tpu.memory_space<hbm>>
    tpu.enqueue_indirect_dma source(%dma_start3A_11 : memref<65472xf32, #tpu.memory_space<hbm>>) target(%arg18 : memref<128xf32, #tpu.memory_space<vmem>>) offsets(%arg13 : memref<128xi32, #tpu.memory_space<vmem>>) semaphore(%arg19 : memref<!tpu.dma_semaphore, #tpu.memory_space<semaphore_mem>>)
    %dma_wait3A = arith.constant 0 : i32
    %dma_wait3A_12 = tpu.memref_slice %arg2[%dma_wait3A] : memref<65472xf32, #tpu.memory_space<hbm>> -> memref<65472xf32, #tpu.memory_space<hbm>>
    tpu.wait_indirect_dma semaphore(%arg19 : memref<!tpu.dma_semaphore, #tpu.memory_space<semaphore_mem>>) src(%dma_wait3A_12 : memref<65472xf32, #tpu.memory_space<hbm>>) dst(%arg14 : memref<128xf32, #tpu.memory_space<vmem>>)
    %dma_wait3A_13 = arith.constant 0 : i32
    %dma_wait3A_14 = tpu.memref_slice %arg3[%dma_wait3A_13] : memref<65472xf32, #tpu.memory_space<hbm>> -> memref<65472xf32, #tpu.memory_space<hbm>>
    tpu.wait_indirect_dma semaphore(%arg19 : memref<!tpu.dma_semaphore, #tpu.memory_space<semaphore_mem>>) src(%dma_wait3A_14 : memref<65472xf32, #tpu.memory_space<hbm>>) dst(%arg15 : memref<128xf32, #tpu.memory_space<vmem>>)
    %dma_wait3A_15 = arith.constant 0 : i32
    %dma_wait3A_16 = tpu.memref_slice %arg4[%dma_wait3A_15] : memref<65472xf32, #tpu.memory_space<hbm>> -> memref<65472xf32, #tpu.memory_space<hbm>>
    tpu.wait_indirect_dma semaphore(%arg19 : memref<!tpu.dma_semaphore, #tpu.memory_space<semaphore_mem>>) src(%dma_wait3A_16 : memref<65472xf32, #tpu.memory_space<hbm>>) dst(%arg16 : memref<128xf32, #tpu.memory_space<vmem>>)
    %dma_wait3A_17 = arith.constant 0 : i32
    %dma_wait3A_18 = tpu.memref_slice %arg5[%dma_wait3A_17] : memref<65472xf32, #tpu.memory_space<hbm>> -> memref<65472xf32, #tpu.memory_space<hbm>>
    tpu.wait_indirect_dma semaphore(%arg19 : memref<!tpu.dma_semaphore, #tpu.memory_space<semaphore_mem>>) src(%dma_wait3A_18 : memref<65472xf32, #tpu.memory_space<hbm>>) dst(%arg17 : memref<128xf32, #tpu.memory_space<vmem>>)
    %dma_wait3A_19 = arith.constant 0 : i32
    %dma_wait3A_20 = tpu.memref_slice %arg6[%dma_wait3A_19] : memref<65472xf32, #tpu.memory_space<hbm>> -> memref<65472xf32, #tpu.memory_space<hbm>>
    tpu.wait_indirect_dma semaphore(%arg19 : memref<!tpu.dma_semaphore, #tpu.memory_space<semaphore_mem>>) src(%dma_wait3A_20 : memref<65472xf32, #tpu.memory_space<hbm>>) dst(%arg18 : memref<128xf32, #tpu.memory_space<vmem>>)
    "tpu.region"() ({
      %run_scoped3A = tpu.sem_alloc : memref<!tpu.dma_semaphore, #tpu.memory_space<semaphore_mem>>
      %dma_start3A_21 = tpu.memref_slice %arg8[%mul3A_2] : memref<4096xf32, #tpu.memory_space<hbm>> -> memref<128xf32, #tpu.memory_space<hbm>>
      %dma_start3A_22 = tpu.memref_slice %arg8[%mul3A_2] : memref<4096xf32, #tpu.memory_space<hbm>> -> memref<128xf32, #tpu.memory_space<hbm>>
      tpu.enqueue_dma source(%arg14 : memref<128xf32, #tpu.memory_space<vmem>>) target(%dma_start3A_22 : memref<128xf32, #tpu.memory_space<hbm>>) target_semaphore(%run_scoped3A : memref<!tpu.dma_semaphore, #tpu.memory_space<semaphore_mem>>)
      %dma_wait3A_23 = tpu.memref_slice %arg8[%mul3A_2] : memref<4096xf32, #tpu.memory_space<hbm>> -> memref<128xf32, #tpu.memory_space<hbm>>
      %dma_wait3A_24 = tpu.memref_slice %arg8[%mul3A_2] : memref<4096xf32, #tpu.memory_space<hbm>> -> memref<128xf32, #tpu.memory_space<hbm>>
      tpu.wait_dma2 semaphore(%run_scoped3A : memref<!tpu.dma_semaphore, #tpu.memory_space<semaphore_mem>>) src(%arg14 : memref<128xf32, #tpu.memory_space<vmem>>) dst(%dma_wait3A_24 : memref<128xf32, #tpu.memory_space<hbm>>)
      tpu.yield
    }) : () -> ()
    "tpu.region"() ({
      %run_scoped3A = tpu.sem_alloc : memref<!tpu.dma_semaphore, #tpu.memory_space<semaphore_mem>>
      %dma_start3A_21 = tpu.memref_slice %arg9[%mul3A_2] : memref<4096xf32, #tpu.memory_space<hbm>> -> memref<128xf32, #tpu.memory_space<hbm>>
      %dma_start3A_22 = tpu.memref_slice %arg9[%mul3A_2] : memref<4096xf32, #tpu.memory_space<hbm>> -> memref<128xf32, #tpu.memory_space<hbm>>
      tpu.enqueue_dma source(%arg15 : memref<128xf32, #tpu.memory_space<vmem>>) target(%dma_start3A_22 : memref<128xf32, #tpu.memory_space<hbm>>) target_semaphore(%run_scoped3A : memref<!tpu.dma_semaphore, #tpu.memory_space<semaphore_mem>>)
      %dma_wait3A_23 = tpu.memref_slice %arg9[%mul3A_2] : memref<4096xf32, #tpu.memory_space<hbm>> -> memref<128xf32, #tpu.memory_space<hbm>>
      %dma_wait3A_24 = tpu.memref_slice %arg9[%mul3A_2] : memref<4096xf32, #tpu.memory_space<hbm>> -> memref<128xf32, #tpu.memory_space<hbm>>
      tpu.wait_dma2 semaphore(%run_scoped3A : memref<!tpu.dma_semaphore, #tpu.memory_space<semaphore_mem>>) src(%arg15 : memref<128xf32, #tpu.memory_space<vmem>>) dst(%dma_wait3A_24 : memref<128xf32, #tpu.memory_space<hbm>>)
      tpu.yield
    }) : () -> ()
    "tpu.region"() ({
      %run_scoped3A = tpu.sem_alloc : memref<!tpu.dma_semaphore, #tpu.memory_space<semaphore_mem>>
      %dma_start3A_21 = tpu.memref_slice %arg10[%mul3A_2] : memref<4096xf32, #tpu.memory_space<hbm>> -> memref<128xf32, #tpu.memory_space<hbm>>
      %dma_start3A_22 = tpu.memref_slice %arg10[%mul3A_2] : memref<4096xf32, #tpu.memory_space<hbm>> -> memref<128xf32, #tpu.memory_space<hbm>>
      tpu.enqueue_dma source(%arg16 : memref<128xf32, #tpu.memory_space<vmem>>) target(%dma_start3A_22 : memref<128xf32, #tpu.memory_space<hbm>>) target_semaphore(%run_scoped3A : memref<!tpu.dma_semaphore, #tpu.memory_space<semaphore_mem>>)
      %dma_wait3A_23 = tpu.memref_slice %arg10[%mul3A_2] : memref<4096xf32, #tpu.memory_space<hbm>> -> memref<128xf32, #tpu.memory_space<hbm>>
      %dma_wait3A_24 = tpu.memref_slice %arg10[%mul3A_2] : memref<4096xf32, #tpu.memory_space<hbm>> -> memref<128xf32, #tpu.memory_space<hbm>>
      tpu.wait_dma2 semaphore(%run_scoped3A : memref<!tpu.dma_semaphore, #tpu.memory_space<semaphore_mem>>) src(%arg16 : memref<128xf32, #tpu.memory_space<vmem>>) dst(%dma_wait3A_24 : memref<128xf32, #tpu.memory_space<hbm>>)
      tpu.yield
    }) : () -> ()
    "tpu.region"() ({
      %run_scoped3A = tpu.sem_alloc : memref<!tpu.dma_semaphore, #tpu.memory_space<semaphore_mem>>
      %dma_start3A_21 = tpu.memref_slice %arg11[%mul3A_2] : memref<4096xf32, #tpu.memory_space<hbm>> -> memref<128xf32, #tpu.memory_space<hbm>>
      %dma_start3A_22 = tpu.memref_slice %arg11[%mul3A_2] : memref<4096xf32, #tpu.memory_space<hbm>> -> memref<128xf32, #tpu.memory_space<hbm>>
      tpu.enqueue_dma source(%arg17 : memref<128xf32, #tpu.memory_space<vmem>>) target(%dma_start3A_22 : memref<128xf32, #tpu.memory_space<hbm>>) target_semaphore(%run_scoped3A : memref<!tpu.dma_semaphore, #tpu.memory_space<semaphore_mem>>)
      %dma_wait3A_23 = tpu.memref_slice %arg11[%mul3A_2] : memref<4096xf32, #tpu.memory_space<hbm>> -> memref<128xf32, #tpu.memory_space<hbm>>
      %dma_wait3A_24 = tpu.memref_slice %arg11[%mul3A_2] : memref<4096xf32, #tpu.memory_space<hbm>> -> memref<128xf32, #tpu.memory_space<hbm>>
      tpu.wait_dma2 semaphore(%run_scoped3A : memref<!tpu.dma_semaphore, #tpu.memory_space<semaphore_mem>>) src(%arg17 : memref<128xf32, #tpu.memory_space<vmem>>) dst(%dma_wait3A_24 : memref<128xf32, #tpu.memory_space<hbm>>)
      tpu.yield
    }) : () -> ()
    "tpu.region"() ({
      %run_scoped3A = tpu.sem_alloc : memref<!tpu.dma_semaphore, #tpu.memory_space<semaphore_mem>>
      %dma_start3A_21 = tpu.memref_slice %arg12[%mul3A_2] : memref<4096xf32, #tpu.memory_space<hbm>> -> memref<128xf32, #tpu.memory_space<hbm>>
      %dma_start3A_22 = tpu.memref_slice %arg12[%mul3A_2] : memref<4096xf32, #tpu.memory_space<hbm>> -> memref<128xf32, #tpu.memory_space<hbm>>
      tpu.enqueue_dma source(%arg18 : memref<128xf32, #tpu.memory_space<vmem>>) target(%dma_start3A_22 : memref<128xf32, #tpu.memory_space<hbm>>) target_semaphore(%run_scoped3A : memref<!tpu.dma_semaphore, #tpu.memory_space<semaphore_mem>>)
      %dma_wait3A_23 = tpu.memref_slice %arg12[%mul3A_2] : memref<4096xf32, #tpu.memory_space<hbm>> -> memref<128xf32, #tpu.memory_space<hbm>>
      %dma_wait3A_24 = tpu.memref_slice %arg12[%mul3A_2] : memref<4096xf32, #tpu.memory_space<hbm>> -> memref<128xf32, #tpu.memory_space<hbm>>
      tpu.wait_dma2 semaphore(%run_scoped3A : memref<!tpu.dma_semaphore, #tpu.memory_space<semaphore_mem>>) src(%arg18 : memref<128xf32, #tpu.memory_space<vmem>>) dst(%dma_wait3A_24 : memref<128xf32, #tpu.memory_space<hbm>>)
      tpu.yield
    }) : () -> ()
    return
  }
}

module attributes {stable_mosaic.version = 14 : i64} {
  func.func @_thresh_body(%arg0: memref<8x6144xf32, #tpu.memory_space<vmem>>, %arg1: memref<8x1536xf32, #tpu.memory_space<vmem>>, %arg2: memref<8x384xf32, #tpu.memory_space<vmem>>, %arg3: memref<8x128xf32, #tpu.memory_space<vmem>>) attributes {dimension_semantics = [], scalar_prefetch = 0 : i64, scratch_operands = 0 : i64, tpu.core_type = #tpu.core_type<tc>} {
    %get3A = arith.constant 0 : index
    %get3A_0 = arith.constant 0 : index
    %get3A_1 = vector.load %arg0[%get3A, %get3A_0] : memref<8x6144xf32, #tpu.memory_space<vmem>>, vector<8x6144xf32>
    %bitcast_convert_type3A = tpu.bitcast %get3A_1 : vector<8x6144xf32> -> vector<8x6144xi32>
    %get3A_2 = arith.constant 0 : index
    %get3A_3 = arith.constant 0 : index
    %get3A_4 = vector.load %arg1[%get3A_2, %get3A_3] : memref<8x1536xf32, #tpu.memory_space<vmem>>, vector<8x1536xf32>
    %bitcast_convert_type3A_5 = tpu.bitcast %get3A_4 : vector<8x1536xf32> -> vector<8x1536xi32>
    %get3A_6 = arith.constant 0 : index
    %get3A_7 = arith.constant 0 : index
    %get3A_8 = vector.load %arg2[%get3A_6, %get3A_7] : memref<8x384xf32, #tpu.memory_space<vmem>>, vector<8x384xf32>
    %bitcast_convert_type3A_9 = tpu.bitcast %get3A_8 : vector<8x384xf32> -> vector<8x384xi32>
    %scan3A = arith.constant 1 : i32
    %scan3A_10 = arith.constant 1065353217 : i32
    %scan3A_11 = arith.constant 1 : i32
    %scan3A_12 = arith.constant 1065353217 : i32
    %scan3A_13 = arith.constant 1 : i32
    %scan3A_14 = arith.constant 1065353217 : i32
    %scan3A_15 = arith.constant 0 : i32
    %scan3A_16 = arith.constant 31 : i32
    %scan3A_17 = arith.addi %scan3A_15, %scan3A_16 : i32
    %scan3A_18 = arith.constant 1 : i32
    %scan3A_19:6 = scf.for %scan3A_38 = %scan3A_15 to %scan3A_17 step %scan3A_18 iter_args(%scan3A_39 = %scan3A, %scan3A_40 = %scan3A_10, %scan3A_41 = %scan3A_11, %scan3A_42 = %scan3A_12, %scan3A_43 = %scan3A_13, %scan3A_44 = %scan3A_14) -> (i32, i32, i32, i32, i32, i32)  : i32 {
      %sub3A = arith.subi %scan3A_40, %scan3A_39 : i32
      %jit3A_45 = arith.constant 2 : i32
      %div3A = arith.divsi %sub3A, %jit3A_45 : i32
      %sign3A = arith.constant 0 : i32
      %sign3A_46 = arith.cmpi sgt, %sub3A, %sign3A : i32
      %sign3A_47 = arith.extui %sign3A_46 : i1 to i32
      %sign3A_48 = arith.constant 0 : i32
      %sign3A_49 = arith.cmpi slt, %sub3A, %sign3A_48 : i32
      %sign3A_50 = arith.extui %sign3A_49 : i1 to i32
      %sign3A_51 = arith.subi %sign3A_47, %sign3A_50 : i32
      %sign3A_52 = arith.constant 0 : i32
      %sign3A_53 = arith.cmpi sgt, %jit3A_45, %sign3A_52 : i32
      %sign3A_54 = arith.extui %sign3A_53 : i1 to i32
      %sign3A_55 = arith.constant 0 : i32
      %sign3A_56 = arith.cmpi slt, %jit3A_45, %sign3A_55 : i32
      %sign3A_57 = arith.extui %sign3A_56 : i1 to i32
      %sign3A_58 = arith.subi %sign3A_54, %sign3A_57 : i32
      %ne3A = arith.cmpi ne, %sign3A_51, %sign3A_58 : i32
      %rem3A = arith.remsi %sub3A, %jit3A_45 : i32
      %ne3A_59 = arith.constant 0 : i32
      %ne3A_60 = arith.cmpi ne, %rem3A, %ne3A_59 : i32
      %and3A = arith.andi %ne3A, %ne3A_60 : i1
      %sub3A_61 = arith.constant 1 : i32
      %sub3A_62 = arith.subi %div3A, %sub3A_61 : i32
      %select_n3A_63 = arith.select %and3A, %sub3A_62, %div3A : i32
      %add3A = arith.addi %scan3A_39, %select_n3A_63 : i32
      %sub3A_64 = arith.subi %scan3A_42, %scan3A_41 : i32
      %jit3A_65 = arith.constant 2 : i32
      %div3A_66 = arith.divsi %sub3A_64, %jit3A_65 : i32
      %sign3A_67 = arith.constant 0 : i32
      %sign3A_68 = arith.cmpi sgt, %sub3A_64, %sign3A_67 : i32
      %sign3A_69 = arith.extui %sign3A_68 : i1 to i32
      %sign3A_70 = arith.constant 0 : i32
      %sign3A_71 = arith.cmpi slt, %sub3A_64, %sign3A_70 : i32
      %sign3A_72 = arith.extui %sign3A_71 : i1 to i32
      %sign3A_73 = arith.subi %sign3A_69, %sign3A_72 : i32
      %sign3A_74 = arith.constant 0 : i32
      %sign3A_75 = arith.cmpi sgt, %jit3A_65, %sign3A_74 : i32
      %sign3A_76 = arith.extui %sign3A_75 : i1 to i32
      %sign3A_77 = arith.constant 0 : i32
      %sign3A_78 = arith.cmpi slt, %jit3A_65, %sign3A_77 : i32
      %sign3A_79 = arith.extui %sign3A_78 : i1 to i32
      %sign3A_80 = arith.subi %sign3A_76, %sign3A_79 : i32
      %ne3A_81 = arith.cmpi ne, %sign3A_73, %sign3A_80 : i32
      %rem3A_82 = arith.remsi %sub3A_64, %jit3A_65 : i32
      %ne3A_83 = arith.constant 0 : i32
      %ne3A_84 = arith.cmpi ne, %rem3A_82, %ne3A_83 : i32
      %and3A_85 = arith.andi %ne3A_81, %ne3A_84 : i1
      %sub3A_86 = arith.constant 1 : i32
      %sub3A_87 = arith.subi %div3A_66, %sub3A_86 : i32
      %select_n3A_88 = arith.select %and3A_85, %sub3A_87, %div3A_66 : i32
      %add3A_89 = arith.addi %scan3A_41, %select_n3A_88 : i32
      %sub3A_90 = arith.subi %scan3A_44, %scan3A_43 : i32
      %jit3A_91 = arith.constant 2 : i32
      %div3A_92 = arith.divsi %sub3A_90, %jit3A_91 : i32
      %sign3A_93 = arith.constant 0 : i32
      %sign3A_94 = arith.cmpi sgt, %sub3A_90, %sign3A_93 : i32
      %sign3A_95 = arith.extui %sign3A_94 : i1 to i32
      %sign3A_96 = arith.constant 0 : i32
      %sign3A_97 = arith.cmpi slt, %sub3A_90, %sign3A_96 : i32
      %sign3A_98 = arith.extui %sign3A_97 : i1 to i32
      %sign3A_99 = arith.subi %sign3A_95, %sign3A_98 : i32
      %sign3A_100 = arith.constant 0 : i32
      %sign3A_101 = arith.cmpi sgt, %jit3A_91, %sign3A_100 : i32
      %sign3A_102 = arith.extui %sign3A_101 : i1 to i32
      %sign3A_103 = arith.constant 0 : i32
      %sign3A_104 = arith.cmpi slt, %jit3A_91, %sign3A_103 : i32
      %sign3A_105 = arith.extui %sign3A_104 : i1 to i32
      %sign3A_106 = arith.subi %sign3A_102, %sign3A_105 : i32
      %ne3A_107 = arith.cmpi ne, %sign3A_99, %sign3A_106 : i32
      %rem3A_108 = arith.remsi %sub3A_90, %jit3A_91 : i32
      %ne3A_109 = arith.constant 0 : i32
      %ne3A_110 = arith.cmpi ne, %rem3A_108, %ne3A_109 : i32
      %and3A_111 = arith.andi %ne3A_107, %ne3A_110 : i1
      %sub3A_112 = arith.constant 1 : i32
      %sub3A_113 = arith.subi %div3A_92, %sub3A_112 : i32
      %select_n3A_114 = arith.select %and3A_111, %sub3A_113, %div3A_92 : i32
      %add3A_115 = arith.addi %scan3A_43, %select_n3A_114 : i32
      %ge3A = vector.broadcast %add3A : i32 to vector<8x6144xi32>
      %ge3A_116 = arith.cmpi sge, %bitcast_convert_type3A, %ge3A : vector<8x6144xi32>
      %convert_element_type3A = arith.extui %ge3A_116 : vector<8x6144xi1> to vector<8x6144xi32>
      %reduce_sum3A = vector.shape_cast %convert_element_type3A : vector<8x6144xi32> to vector<1x8x6144xi32>
      %reduce_sum3A_117 = arith.constant dense<0> : vector<1xi32>
      %reduce_sum3A_118 = vector.multi_reduction <add>, %reduce_sum3A, %reduce_sum3A_117 [1, 2] : vector<1x8x6144xi32> to vector<1xi32>
      %reduce_sum3A_119 = vector.shape_cast %reduce_sum3A_118 : vector<1xi32> to vector<1x1x1xi32>
      %reduce_sum3A_120 = vector.extract %reduce_sum3A_119[0, 0, 0] : i32 from vector<1x1x1xi32>
      %ge3A_121 = vector.broadcast %add3A_89 : i32 to vector<8x1536xi32>
      %ge3A_122 = arith.cmpi sge, %bitcast_convert_type3A_5, %ge3A_121 : vector<8x1536xi32>
      %convert_element_type3A_123 = arith.extui %ge3A_122 : vector<8x1536xi1> to vector<8x1536xi32>
      %reduce_sum3A_124 = vector.shape_cast %convert_element_type3A_123 : vector<8x1536xi32> to vector<1x8x1536xi32>
      %reduce_sum3A_125 = arith.constant dense<0> : vector<1xi32>
      %reduce_sum3A_126 = vector.multi_reduction <add>, %reduce_sum3A_124, %reduce_sum3A_125 [1, 2] : vector<1x8x1536xi32> to vector<1xi32>
      %reduce_sum3A_127 = vector.shape_cast %reduce_sum3A_126 : vector<1xi32> to vector<1x1x1xi32>
      %reduce_sum3A_128 = vector.extract %reduce_sum3A_127[0, 0, 0] : i32 from vector<1x1x1xi32>
      %ge3A_129 = vector.broadcast %add3A_115 : i32 to vector<8x384xi32>
      %ge3A_130 = arith.cmpi sge, %bitcast_convert_type3A_9, %ge3A_129 : vector<8x384xi32>
      %convert_element_type3A_131 = arith.extui %ge3A_130 : vector<8x384xi1> to vector<8x384xi32>
      %reduce_sum3A_132 = vector.shape_cast %convert_element_type3A_131 : vector<8x384xi32> to vector<1x8x384xi32>
      %reduce_sum3A_133 = arith.constant dense<0> : vector<1xi32>
      %reduce_sum3A_134 = vector.multi_reduction <add>, %reduce_sum3A_132, %reduce_sum3A_133 [1, 2] : vector<1x8x384xi32> to vector<1xi32>
      %reduce_sum3A_135 = vector.shape_cast %reduce_sum3A_134 : vector<1xi32> to vector<1x1x1xi32>
      %reduce_sum3A_136 = vector.extract %reduce_sum3A_135[0, 0, 0] : i32 from vector<1x1x1xi32>
      %ge3A_137 = arith.constant 1000 : i32
      %ge3A_138 = arith.cmpi sge, %reduce_sum3A_120, %ge3A_137 : i32
      %ge3A_139 = arith.constant 1000 : i32
      %ge3A_140 = arith.cmpi sge, %reduce_sum3A_128, %ge3A_139 : i32
      %ge3A_141 = arith.constant 1000 : i32
      %ge3A_142 = arith.cmpi sge, %reduce_sum3A_136, %ge3A_141 : i32
      %select_n3A_143 = arith.select %ge3A_138, %add3A, %scan3A_39 : i32
      %select_n3A_144 = arith.select %ge3A_138, %scan3A_40, %add3A : i32
      %select_n3A_145 = arith.select %ge3A_140, %add3A_89, %scan3A_41 : i32
      %select_n3A_146 = arith.select %ge3A_140, %scan3A_42, %add3A_89 : i32
      %select_n3A_147 = arith.select %ge3A_142, %add3A_115, %scan3A_43 : i32
      %select_n3A_148 = arith.select %ge3A_142, %scan3A_44, %add3A_115 : i32
      scf.yield %select_n3A_143, %select_n3A_144, %select_n3A_145, %select_n3A_146, %select_n3A_147, %select_n3A_148 : i32, i32, i32, i32, i32, i32
    }
    %bitcast_convert_type3A_20 = arith.bitcast %scan3A_19#0 : i32 to f32
    %bitcast_convert_type3A_21 = arith.bitcast %scan3A_19#2 : i32 to f32
    %bitcast_convert_type3A_22 = arith.bitcast %scan3A_19#4 : i32 to f32
    %iota3A = tpu.iota {dimensions = array<i32: 1>} : vector<8x128xi32>
    %eq3A = arith.constant 0 : i32
    %eq3A_23 = vector.broadcast %eq3A : i32 to vector<8x128xi32>
    %eq3A_24 = arith.cmpi eq, %iota3A, %eq3A_23 : vector<8x128xi32>
    %eq3A_25 = arith.constant 1 : i32
    %eq3A_26 = vector.broadcast %eq3A_25 : i32 to vector<8x128xi32>
    %eq3A_27 = arith.cmpi eq, %iota3A, %eq3A_26 : vector<8x128xi32>
    %eq3A_28 = arith.constant 2 : i32
    %eq3A_29 = vector.broadcast %eq3A_28 : i32 to vector<8x128xi32>
    %eq3A_30 = arith.cmpi eq, %iota3A, %eq3A_29 : vector<8x128xi32>
    %jit3A = arith.constant 1.000000e-35 : f32
    %broadcast_in_dim3A = vector.broadcast %bitcast_convert_type3A_22 : f32 to vector<8x128xf32>
    %broadcast_in_dim3A_31 = vector.broadcast %jit3A : f32 to vector<8x128xf32>
    %select_n3A = arith.select %eq3A_30, %broadcast_in_dim3A, %broadcast_in_dim3A_31 : vector<8x128xi1>, vector<8x128xf32>
    %broadcast_in_dim3A_32 = vector.broadcast %bitcast_convert_type3A_21 : f32 to vector<8x128xf32>
    %select_n3A_33 = arith.select %eq3A_27, %broadcast_in_dim3A_32, %select_n3A : vector<8x128xi1>, vector<8x128xf32>
    %broadcast_in_dim3A_34 = vector.broadcast %bitcast_convert_type3A_20 : f32 to vector<8x128xf32>
    %select_n3A_35 = arith.select %eq3A_24, %broadcast_in_dim3A_34, %select_n3A_33 : vector<8x128xi1>, vector<8x128xf32>
    %swap3A = arith.constant 0 : index
    %swap3A_36 = arith.constant 0 : index
    %swap3A_37 = vector.load %arg3[%swap3A, %swap3A_36] : memref<8x128xf32, #tpu.memory_space<vmem>>, vector<8x128xf32>
    tpu.vector_store %arg3[%swap3A, %swap3A_36], %select_n3A_35 {strides = array<i32>} : memref<8x128xf32, #tpu.memory_space<vmem>>, vector<8x128xf32>,
    return
  }
}

module attributes {stable_mosaic.version = 14 : i64} {
  func.func @_nms_body(%arg0: memref<8x512xf32, #tpu.memory_space<vmem>>, %arg1: memref<8x512xf32, #tpu.memory_space<vmem>>, %arg2: memref<8x512xf32, #tpu.memory_space<vmem>>, %arg3: memref<8x512xf32, #tpu.memory_space<vmem>>, %arg4: memref<8x512xf32, #tpu.memory_space<vmem>>, %arg5: memref<1000x4xf32, #tpu.memory_space<vmem>>) attributes {dimension_semantics = [], scalar_prefetch = 0 : i64, scratch_operands = 0 : i64, tpu.core_type = #tpu.core_type<tc>} {
    %get3A = arith.constant 0 : index
    %get3A_0 = arith.constant 0 : index
    %get3A_1 = vector.load %arg0[%get3A, %get3A_0] : memref<8x512xf32, #tpu.memory_space<vmem>>, vector<8x512xf32>
    %get3A_2 = arith.constant 0 : index
    %get3A_3 = arith.constant 0 : index
    %get3A_4 = vector.load %arg1[%get3A_2, %get3A_3] : memref<8x512xf32, #tpu.memory_space<vmem>>, vector<8x512xf32>
    %get3A_5 = arith.constant 0 : index
    %get3A_6 = arith.constant 0 : index
    %get3A_7 = vector.load %arg2[%get3A_5, %get3A_6] : memref<8x512xf32, #tpu.memory_space<vmem>>, vector<8x512xf32>
    %get3A_8 = arith.constant 0 : index
    %get3A_9 = arith.constant 0 : index
    %get3A_10 = vector.load %arg3[%get3A_8, %get3A_9] : memref<8x512xf32, #tpu.memory_space<vmem>>, vector<8x512xf32>
    %get3A_11 = arith.constant 0 : index
    %get3A_12 = arith.constant 0 : index
    %get3A_13 = vector.load %arg4[%get3A_11, %get3A_12] : memref<8x512xf32, #tpu.memory_space<vmem>>, vector<8x512xf32>
    %iota3A = tpu.iota {dimensions = array<i32: 0>} : vector<8x512xi32>
    %mul3A = arith.constant 512 : i32
    %mul3A_14 = vector.broadcast %mul3A : i32 to vector<8x512xi32>
    %mul3A_15 = arith.muli %iota3A, %mul3A_14 : vector<8x512xi32>
    %iota3A_16 = tpu.iota {dimensions = array<i32: 1>} : vector<8x512xi32>
    %add3A = arith.addi %mul3A_15, %iota3A_16 : vector<8x512xi32>
    %ge3A = arith.constant 1000 : i32
    %ge3A_17 = vector.broadcast %ge3A : i32 to vector<8x512xi32>
    %ge3A_18 = arith.cmpi sge, %add3A, %ge3A_17 : vector<8x512xi32>
    %lt3A = arith.constant 1008 : i32
    %lt3A_19 = vector.broadcast %lt3A : i32 to vector<8x512xi32>
    %lt3A_20 = arith.cmpi slt, %add3A, %lt3A_19 : vector<8x512xi32>
    %and3A = arith.andi %ge3A_18, %lt3A_20 : vector<8x512xi1>
    %ge3A_21 = arith.constant 2008 : i32
    %ge3A_22 = vector.broadcast %ge3A_21 : i32 to vector<8x512xi32>
    %ge3A_23 = arith.cmpi sge, %add3A, %ge3A_22 : vector<8x512xi32>
    %lt3A_24 = arith.constant 2016 : i32
    %lt3A_25 = vector.broadcast %lt3A_24 : i32 to vector<8x512xi32>
    %lt3A_26 = arith.cmpi slt, %add3A, %lt3A_25 : vector<8x512xi32>
    %and3A_27 = arith.andi %ge3A_23, %lt3A_26 : vector<8x512xi1>
    %or3A = arith.ori %and3A, %and3A_27 : vector<8x512xi1>
    %ge3A_28 = arith.constant 3016 : i32
    %ge3A_29 = vector.broadcast %ge3A_28 : i32 to vector<8x512xi32>
    %ge3A_30 = arith.cmpi sge, %add3A, %ge3A_29 : vector<8x512xi32>
    %lt3A_31 = arith.constant 3024 : i32
    %lt3A_32 = vector.broadcast %lt3A_31 : i32 to vector<8x512xi32>
    %lt3A_33 = arith.cmpi slt, %add3A, %lt3A_32 : vector<8x512xi32>
    %and3A_34 = arith.andi %ge3A_30, %lt3A_33 : vector<8x512xi1>
    %or3A_35 = arith.ori %or3A, %and3A_34 : vector<8x512xi1>
    %ge3A_36 = arith.constant 3984 : i32
    %ge3A_37 = vector.broadcast %ge3A_36 : i32 to vector<8x512xi32>
    %ge3A_38 = arith.cmpi sge, %add3A, %ge3A_37 : vector<8x512xi32>
    %or3A_39 = arith.ori %or3A_35, %ge3A_38 : vector<8x512xi1>
    %jit3A = arith.constant 0xFF800000 : f32
    %broadcast_in_dim3A = vector.broadcast %jit3A : f32 to vector<8x512xf32>
    %select_n3A = arith.select %or3A_39, %broadcast_in_dim3A, %get3A_1 : vector<8x512xi1>, vector<8x512xf32>
    %sub3A = arith.subf %get3A_10, %get3A_4 : vector<8x512xf32>
    %sub3A_40 = arith.subf %get3A_13, %get3A_7 : vector<8x512xf32>
    %mul3A_41 = arith.mulf %sub3A, %sub3A_40 : vector<8x512xf32>
    %lt3A_42 = arith.constant 1008 : i32
    %lt3A_43 = vector.broadcast %lt3A_42 : i32 to vector<8x512xi32>
    %lt3A_44 = arith.cmpi slt, %add3A, %lt3A_43 : vector<8x512xi32>
    %jit3A_45 = arith.constant 0xFF800000 : f32
    %broadcast_in_dim3A_46 = vector.broadcast %jit3A_45 : f32 to vector<8x512xf32>
    %select_n3A_47 = arith.select %lt3A_44, %select_n3A, %broadcast_in_dim3A_46 : vector<8x512xi1>, vector<8x512xf32>
    %reduce_max3A = vector.shape_cast %select_n3A_47 : vector<8x512xf32> to vector<1x8x512xf32>
    %reduce_max3A_48 = arith.constant dense<0xFF800000> : vector<1xf32>
    %reduce_max3A_49 = vector.multi_reduction <maximumf>, %reduce_max3A, %reduce_max3A_48 [1, 2] : vector<1x8x512xf32> to vector<1xf32>
    %reduce_max3A_50 = vector.shape_cast %reduce_max3A_49 : vector<1xf32> to vector<1x1x1xf32>
    %reduce_max3A_51 = vector.extract %reduce_max3A_50[0, 0, 0] : f32 from vector<1x1x1xf32>
    %eq3A = vector.broadcast %reduce_max3A_51 : f32 to vector<8x512xf32>
    %eq3A_52 = arith.cmpf oeq, %select_n3A_47, %eq3A : vector<8x512xf32>
    %and3A_53 = arith.andi %lt3A_44, %eq3A_52 : vector<8x512xi1>
    %jit3A_54 = arith.constant 1073741824 : i32
    %broadcast_in_dim3A_55 = vector.broadcast %jit3A_54 : i32 to vector<8x512xi32>
    %select_n3A_56 = arith.select %and3A_53, %add3A, %broadcast_in_dim3A_55 : vector<8x512xi1>, vector<8x512xi32>
    %reduce_min3A = vector.shape_cast %select_n3A_56 : vector<8x512xi32> to vector<1x8x512xi32>
    %reduce_min3A_57 = arith.constant dense<2147483647> : vector<1xi32>
    %reduce_min3A_58 = vector.multi_reduction <minsi>, %reduce_min3A, %reduce_min3A_57 [1, 2] : vector<1x8x512xi32> to vector<1xi32>
    %reduce_min3A_59 = vector.shape_cast %reduce_min3A_58 : vector<1xi32> to vector<1x1x1xi32>
    %reduce_min3A_60 = vector.extract %reduce_min3A_59[0, 0, 0] : i32 from vector<1x1x1xi32>
    %iota3A_61 = tpu.iota {dimensions = array<i32: 1>} : vector<1x4xi32>
    %scan3A = arith.constant 1073741824 : i32
    %scan3A_62 = arith.constant 0xFF800000 : f32
    %scan3A_63 = arith.constant 0 : i32
    %scan3A_64 = arith.constant 1000 : i32
    %scan3A_65 = arith.addi %scan3A_63, %scan3A_64 : i32
    %scan3A_66 = arith.constant 1 : i32
    %scan3A_67 = scf.for %scan3A_69 = %scan3A_63 to %scan3A_65 step %scan3A_66 iter_args(%scan3A_70 = %select_n3A) -> (vector<8x512xf32>)  : i32 {
      %reduce_max3A_71 = vector.shape_cast %scan3A_70 : vector<8x512xf32> to vector<1x8x512xf32>
      %reduce_max3A_72 = arith.constant dense<0xFF800000> : vector<1xf32>
      %reduce_max3A_73 = vector.multi_reduction <maximumf>, %reduce_max3A_71, %reduce_max3A_72 [1, 2] : vector<1x8x512xf32> to vector<1xf32>
      %reduce_max3A_74 = vector.shape_cast %reduce_max3A_73 : vector<1xf32> to vector<1x1x1xf32>
      %reduce_max3A_75 = vector.extract %reduce_max3A_74[0, 0, 0] : f32 from vector<1x1x1xf32>
      %eq3A_76 = vector.broadcast %reduce_max3A_75 : f32 to vector<8x512xf32>
      %eq3A_77 = arith.cmpf oeq, %scan3A_70, %eq3A_76 : vector<8x512xf32>
      %broadcast_in_dim3A_78 = vector.broadcast %scan3A : i32 to vector<8x512xi32>
      %select_n3A_79 = arith.select %eq3A_77, %add3A, %broadcast_in_dim3A_78 : vector<8x512xi1>, vector<8x512xi32>
      %reduce_min3A_80 = vector.shape_cast %select_n3A_79 : vector<8x512xi32> to vector<1x8x512xi32>
      %reduce_min3A_81 = arith.constant dense<2147483647> : vector<1xi32>
      %reduce_min3A_82 = vector.multi_reduction <minsi>, %reduce_min3A_80, %reduce_min3A_81 [1, 2] : vector<1x8x512xi32> to vector<1xi32>
      %reduce_min3A_83 = vector.shape_cast %reduce_min3A_82 : vector<1xi32> to vector<1x1x1xi32>
      %reduce_min3A_84 = vector.extract %reduce_min3A_83[0, 0, 0] : i32 from vector<1x1x1xi32>
      %eq3A_85 = arith.cmpf oeq, %reduce_max3A_75, %scan3A_62 : f32
      %select_n3A_86 = arith.select %eq3A_85, %reduce_min3A_60, %reduce_min3A_84 : i32
      %eq3A_87 = vector.broadcast %select_n3A_86 : i32 to vector<8x512xi32>
      %eq3A_88 = arith.cmpi eq, %add3A, %eq3A_87 : vector<8x512xi32>
      %broadcast_in_dim3A_89 = vector.broadcast %scan3A_62 : f32 to vector<8x512xf32>
      %select_n3A_90 = arith.select %eq3A_88, %get3A_4, %broadcast_in_dim3A_89 : vector<8x512xi1>, vector<8x512xf32>
      %reduce_max3A_91 = vector.shape_cast %select_n3A_90 : vector<8x512xf32> to vector<1x8x512xf32>
      %reduce_max3A_92 = arith.constant dense<0xFF800000> : vector<1xf32>
      %reduce_max3A_93 = vector.multi_reduction <maximumf>, %reduce_max3A_91, %reduce_max3A_92 [1, 2] : vector<1x8x512xf32> to vector<1xf32>
      %reduce_max3A_94 = vector.shape_cast %reduce_max3A_93 : vector<1xf32> to vector<1x1x1xf32>
      %reduce_max3A_95 = vector.extract %reduce_max3A_94[0, 0, 0] : f32 from vector<1x1x1xf32>
      %broadcast_in_dim3A_96 = vector.broadcast %scan3A_62 : f32 to vector<8x512xf32>
      %select_n3A_97 = arith.select %eq3A_88, %get3A_7, %broadcast_in_dim3A_96 : vector<8x512xi1>, vector<8x512xf32>
      %reduce_max3A_98 = vector.shape_cast %select_n3A_97 : vector<8x512xf32> to vector<1x8x512xf32>
      %reduce_max3A_99 = arith.constant dense<0xFF800000> : vector<1xf32>
      %reduce_max3A_100 = vector.multi_reduction <maximumf>, %reduce_max3A_98, %reduce_max3A_99 [1, 2] : vector<1x8x512xf32> to vector<1xf32>
      %reduce_max3A_101 = vector.shape_cast %reduce_max3A_100 : vector<1xf32> to vector<1x1x1xf32>
      %reduce_max3A_102 = vector.extract %reduce_max3A_101[0, 0, 0] : f32 from vector<1x1x1xf32>
      %broadcast_in_dim3A_103 = vector.broadcast %scan3A_62 : f32 to vector<8x512xf32>
      %select_n3A_104 = arith.select %eq3A_88, %get3A_10, %broadcast_in_dim3A_103 : vector<8x512xi1>, vector<8x512xf32>
      %reduce_max3A_105 = vector.shape_cast %select_n3A_104 : vector<8x512xf32> to vector<1x8x512xf32>
      %reduce_max3A_106 = arith.constant dense<0xFF800000> : vector<1xf32>
      %reduce_max3A_107 = vector.multi_reduction <maximumf>, %reduce_max3A_105, %reduce_max3A_106 [1, 2] : vector<1x8x512xf32> to vector<1xf32>
      %reduce_max3A_108 = vector.shape_cast %reduce_max3A_107 : vector<1xf32> to vector<1x1x1xf32>
      %reduce_max3A_109 = vector.extract %reduce_max3A_108[0, 0, 0] : f32 from vector<1x1x1xf32>
      %broadcast_in_dim3A_110 = vector.broadcast %scan3A_62 : f32 to vector<8x512xf32>
      %select_n3A_111 = arith.select %eq3A_88, %get3A_13, %broadcast_in_dim3A_110 : vector<8x512xi1>, vector<8x512xf32>
      %reduce_max3A_112 = vector.shape_cast %select_n3A_111 : vector<8x512xf32> to vector<1x8x512xf32>
      %reduce_max3A_113 = arith.constant dense<0xFF800000> : vector<1xf32>
      %reduce_max3A_114 = vector.multi_reduction <maximumf>, %reduce_max3A_112, %reduce_max3A_113 [1, 2] : vector<1x8x512xf32> to vector<1xf32>
      %reduce_max3A_115 = vector.shape_cast %reduce_max3A_114 : vector<1xf32> to vector<1x1x1xf32>
      %reduce_max3A_116 = vector.extract %reduce_max3A_115[0, 0, 0] : f32 from vector<1x1x1xf32>
      %sub3A_117 = arith.subf %reduce_max3A_109, %reduce_max3A_95 : f32
      %sub3A_118 = arith.subf %reduce_max3A_116, %reduce_max3A_102 : f32
      %mul3A_119 = arith.mulf %sub3A_117, %sub3A_118 : f32
      %min3A = vector.broadcast %reduce_max3A_109 : f32 to vector<8x512xf32>
      %min3A_120 = arith.minimumf %get3A_10, %min3A : vector<8x512xf32>
      %max3A = vector.broadcast %reduce_max3A_95 : f32 to vector<8x512xf32>
      %max3A_121 = arith.maximumf %get3A_4, %max3A : vector<8x512xf32>
      %sub3A_122 = arith.subf %min3A_120, %max3A_121 : vector<8x512xf32>
      %max3A_123 = arith.constant 0.000000e+00 : f32
      %max3A_124 = vector.broadcast %max3A_123 : f32 to vector<8x512xf32>
      %max3A_125 = arith.maximumf %sub3A_122, %max3A_124 : vector<8x512xf32>
      %min3A_126 = vector.broadcast %reduce_max3A_116 : f32 to vector<8x512xf32>
      %min3A_127 = arith.minimumf %get3A_13, %min3A_126 : vector<8x512xf32>
      %max3A_128 = vector.broadcast %reduce_max3A_102 : f32 to vector<8x512xf32>
      %max3A_129 = arith.maximumf %get3A_7, %max3A_128 : vector<8x512xf32>
      %sub3A_130 = arith.subf %min3A_127, %max3A_129 : vector<8x512xf32>
      %max3A_131 = arith.constant 0.000000e+00 : f32
      %max3A_132 = vector.broadcast %max3A_131 : f32 to vector<8x512xf32>
      %max3A_133 = arith.maximumf %sub3A_130, %max3A_132 : vector<8x512xf32>
      %mul3A_134 = arith.mulf %max3A_125, %max3A_133 : vector<8x512xf32>
      %add3A_135 = vector.broadcast %mul3A_119 : f32 to vector<8x512xf32>
      %add3A_136 = arith.addf %mul3A_41, %add3A_135 : vector<8x512xf32>
      %sub3A_137 = arith.subf %add3A_136, %mul3A_134 : vector<8x512xf32>
      %add3A_138 = arith.constant 9.99999971E-10 : f32
      %add3A_139 = vector.broadcast %add3A_138 : f32 to vector<8x512xf32>
      %add3A_140 = arith.addf %sub3A_137, %add3A_139 : vector<8x512xf32>
      %div3A = arith.divf %mul3A_134, %add3A_140 : vector<8x512xf32>
      %gt3A = arith.constant 0.699999988 : f32
      %gt3A_141 = vector.broadcast %gt3A : f32 to vector<8x512xf32>
      %gt3A_142 = arith.cmpf ogt, %div3A, %gt3A_141 : vector<8x512xf32>
      %or3A_143 = arith.ori %gt3A_142, %eq3A_88 : vector<8x512xi1>
      %broadcast_in_dim3A_144 = vector.broadcast %scan3A_62 : f32 to vector<8x512xf32>
      %select_n3A_145 = arith.select %or3A_143, %broadcast_in_dim3A_144, %scan3A_70 : vector<8x512xi1>, vector<8x512xf32>
      %eq3A_146 = arith.constant 0 : i32
      %eq3A_147 = vector.broadcast %eq3A_146 : i32 to vector<1x4xi32>
      %eq3A_148 = arith.cmpi eq, %iota3A_61, %eq3A_147 : vector<1x4xi32>
      %eq3A_149 = arith.constant 1 : i32
      %eq3A_150 = vector.broadcast %eq3A_149 : i32 to vector<1x4xi32>
      %eq3A_151 = arith.cmpi eq, %iota3A_61, %eq3A_150 : vector<1x4xi32>
      %eq3A_152 = arith.constant 2 : i32
      %eq3A_153 = vector.broadcast %eq3A_152 : i32 to vector<1x4xi32>
      %eq3A_154 = arith.cmpi eq, %iota3A_61, %eq3A_153 : vector<1x4xi32>
      %broadcast_in_dim3A_155 = vector.broadcast %reduce_max3A_109 : f32 to vector<1x4xf32>
      %broadcast_in_dim3A_156 = vector.broadcast %reduce_max3A_116 : f32 to vector<1x4xf32>
      %select_n3A_157 = arith.select %eq3A_154, %broadcast_in_dim3A_155, %broadcast_in_dim3A_156 : vector<1x4xi1>, vector<1x4xf32>
      %broadcast_in_dim3A_158 = vector.broadcast %reduce_max3A_102 : f32 to vector<1x4xf32>
      %select_n3A_159 = arith.select %eq3A_151, %broadcast_in_dim3A_158, %select_n3A_157 : vector<1x4xi1>, vector<1x4xf32>
      %broadcast_in_dim3A_160 = vector.broadcast %reduce_max3A_95 : f32 to vector<1x4xf32>
      %select_n3A_161 = arith.select %eq3A_148, %broadcast_in_dim3A_160, %select_n3A_159 : vector<1x4xi1>, vector<1x4xf32>
      %swap3A = arith.index_cast %scan3A_69 : i32 to index
      %swap3A_162 = arith.constant 0 : index
      %swap3A_163 = vector.load %arg5[%swap3A, %swap3A_162] : memref<1000x4xf32, #tpu.memory_space<vmem>>, vector<1x4xf32>
      tpu.vector_store %arg5[%swap3A, %swap3A_162], %select_n3A_161 {strides = array<i32>} : memref<1000x4xf32, #tpu.memory_space<vmem>>, vector<1x4xf32>,
      scf.yield %select_n3A_145 : vector<8x512xf32>
    }
    %scan3A_68 = arith.constant 1000 : i32
    return
  }
}

</mosaic_0001>

<sc_bundles>
// kernel: kernel.5.cloned.1.call-start
scs
__scs_entry_jumppad:
0x0: {  	(pc) =	sbr.rel $0x88, $3  }
0x1: {  	(tag) =	ssettag $0x0;
	lr =	simm.s32 $0x1  }
0x2: {  	[smem:$0x3F96] =	sst lr;
	_ =	strace $0xD0000000  }
0x3: {  	_ = 	snop  }
0x4: {  	_ = 	snop  }
0x5: {  	_ = 	snop  }
0x6: {  	_ = 	snop  }
0x7: {  	_ = 	snop  }
__scs_overlays_trampoline_lowered:
0x8: {  	[smem:$0x3FA5] =	sst s0  }
0x9: {  	[smem:$0x3FA6] =	sst s1  }
0xa: {  	[smem:$0x3FA7] =	sst s2  }
0xb: {  	[smem:$0x3FA8] =	sst s3  }
0xc: {  	[smem:$0x3FA9] =	sst s4  }
0xd: {  	[smem:$0x3FAA] =	sst s5  }
0xe: {  	[smem:$0x3FAB] =	sst s6  }
0xf: {  	[smem:$0x3FAC] =	sst s7  }
0x10: {  	[smem:$0x3FAD] =	sst s8  }
0x11: {  	[smem:$0x3FAE] =	sst s9;
	s0 =	simm.s32 @!p0 $0x0  }
0x12: {  	s1 =	sld [smem:$0x3F94];
	s0 =	simm.s32 @p0 $0x1  }
0x13: {  	[smem:$0x3FAF] =	sst s0;
	s0 =	simm.s32 @!p1 $0x0  }
0x14: {  	s2 =	sld [smem:$0x3F93];
	s0 =	simm.s32 @p1 $0x1  }
0x15: {  	[smem:$0x3FB0] =	sst s0;
	s0 =	simm.s32 @!p2 $0x0  }
0x16: {  	s3 =	sld [smem:$0x3FDB];
	s0 =	simm.s32 @p2 $0x1  }
0x17: {  	s4 =	simm.s32 $0x1BF5;
	[smem:$0x3FB2] =	sst s0  }
0x18: {  	s0 =	sld [smem:$0x3F95];
	_ =	swait.ge [sflag:s4], $0x0  }
0x19: {  	s7 =	sld [smem:$0x3F96]  }
0x1a: {  	s8 =	sadd.s32 $0xFFFFE003, lr  }
0x1b: {  	s9 =	sadd.s32 $0xFFFFFEF7, lr;
	s5 =	simm.s32 $0xFFFFFFFF;
	p2 =	slt.u32 s8, $0xFFFFF086  }
0x1c: {  	p1 =	slt.u32 s9, $0xF7A;
	s5 =	simm.s32 @!p2 $0x0  }
0x1d: {  	s5 =	simm.s32 @p1 $0x1;
	p0 =	seq.s32 s7, s2  }
0x1e: {  	s7 =	smul.u32 @!p0 $0xF7A, s2;
	p2 =	seq.s32 @!p0 s5, $0x0  }
0x1f: {  	s9 =	smul.u32 $0xF7A, s1;
	s8 =	simm.s32 @!p0 $0x1BF5;
	p2 =	por !p2, p0  }
0x20: {  	[sflag:s8] =	ssyncset.s32 @!p0 $0xFFFFF086;
	s6 =	sadd.s32 @!p0 s3, s7;
	s7 =	simm.s32 @!p0 $0x108  }
0x21: {  	s3 =	sadd.s32 s3, s9;
	s6 =	sadd.s32 @!p0 $0x88, s6;
	s7 =	simm.s32 @p2 $0x1082  }
0x22: {  	[simem:s7], [sflag:s8] =	dma.local @!p0 [hbm:s6], $0xF7A  }
0x23: {  	s9 =	sor.u32 $0xD0000000, s2;
	s6 =	simm.s32 $0x108;
	_ =	swait.ge @!p0 [sflag:s8], $0x0  }
0x24: {  	s3 =	sadd.s32 $0x88, s3;
	s6 =	simm.s32 @!p1 $0x1082;
	[sflag:s4] =	ssyncset.s32 $0xFFFFF086  }
0x25: {  	[simem:s6], [sflag:s4] =	dma.local [hbm:s3], $0xF7A  }
0x26: {  	[smem:$0x3F96] =	sst s1;
	(tag) =	ssettag s2;
	_ =	strace s9  }
0x27: {  	s1 =	sld [smem:$0x3FA6]  }
0x28: {  	s2 =	sld [smem:$0x3FA7]  }
0x29: {  	s4 =	sld [smem:$0x3FA9]  }
0x2a: {  	p0 =	seq.s32 s5, $0x0;
	s5 =	sld [smem:$0x3FAA]  }
0x2b: {  	s6 =	sld [smem:$0x3FAB]  }
0x2c: {  	s7 =	sld [smem:$0x3FAC]  }
0x2d: {  	s3 =	simm.s32 $0x108;
	s8 =	sld [smem:$0x3FAD]  }
0x2e: {  	s3 =	simm.s32 @!p0 $0x1082;
	s9 =	sld [smem:$0x3FAE]  }
0x2f: {  	lr =	sadd.s32 s0, s3;
	s0 =	sld [smem:$0x3FA5]  }
0x30: {  	s3 =	sld [smem:$0x3FA8]  }
0x31: {  	[smem:$0x3FB1] =	sst s10  }
0x32: {  	s10 =	sld [smem:$0x3FAF];
	_ =	sdelay $0x3  }
0x33: {  	p0 =	seq.s32 s10, $0x1;
	s10 =	sld [smem:$0x3FB1];
	_ =	sdelay $0x3  }
0x34: {  	[smem:$0x3FB1] =	sst s10  }
0x35: {  	s10 =	sld [smem:$0x3FB0];
	_ =	sdelay $0x3  }
0x36: {  	p1 =	seq.s32 s10, $0x1;
	s10 =	sld [smem:$0x3FB1];
	_ =	sdelay $0x3  }
0x37: {  	[smem:$0x3FB1] =	sst s10  }
0x38: {  	s10 =	sld [smem:$0x3FB2]  }
0x39: {  	_ = 	snop;
	(pc) =	sbr.ind lr, $3  }
0x3a: {  	_ = 	snop  }
0x3b: {  	_ = 	snop  }
0x3c: {  	p2 =	seq.s32 s10, $0x1;
	s10 =	sld [smem:$0x3FB1]  }
0x3d: {  	_ =	shalt  }
0x3e: {  	_ =	shalt  }
0x3f: {  	_ =	shalt  }
0x40: {  	_ =	shalt  }
0x41: {  	_ =	shalt  }
0x42: {  	_ =	shalt  }
0x43: {  	_ =	shalt  }
0x44: {  	_ =	shalt  }
0x45: {  	_ =	shalt  }
0x46: {  	_ =	shalt  }
0x47: {  	_ =	shalt  }
0x48: {  	_ =	shalt  }
0x49: {  	_ =	shalt  }
0x4a: {  	_ =	shalt  }
0x4b: {  	_ =	shalt  }
0x4c: {  	_ =	shalt  }
0x4d: {  	_ =	shalt  }
0x4e: {  	_ =	shalt  }
0x4f: {  	_ =	shalt  }
0x50: {  	_ =	shalt  }
0x51: {  	_ =	shalt  }
0x52: {  	_ =	shalt  }
0x53: {  	_ =	shalt  }
0x54: {  	_ =	shalt  }
0x55: {  	_ =	shalt  }
0x56: {  	_ =	shalt  }
0x57: {  	_ =	shalt  }
0x58: {  	_ =	shalt  }
0x59: {  	_ =	shalt  }
0x5a: {  	_ =	shalt  }
0x5b: {  	_ =	shalt  }
0x5c: {  	_ =	shalt  }
0x5d: {  	_ =	shalt  }
0x5e: {  	_ =	shalt  }
0x5f: {  	_ =	shalt  }
0x60: {  	_ =	shalt  }
0x61: {  	_ =	shalt  }
0x62: {  	_ =	shalt  }
0x63: {  	_ =	shalt  }
0x64: {  	_ =	shalt  }
0x65: {  	_ =	shalt  }
0x66: {  	_ =	shalt  }
0x67: {  	_ =	shalt  }
0x68: {  	_ =	shalt  }
0x69: {  	_ =	shalt  }
0x6a: {  	_ =	shalt  }
0x6b: {  	_ =	shalt  }
0x6c: {  	_ =	shalt  }
0x6d: {  	_ =	shalt  }
0x6e: {  	_ =	shalt  }
0x6f: {  	_ =	shalt  }
0x70: {  	_ =	shalt  }
0x71: {  	_ =	shalt  }
0x72: {  	_ =	shalt  }
0x73: {  	_ =	shalt  }
0x74: {  	_ =	shalt  }
0x75: {  	_ =	shalt  }
0x76: {  	_ =	shalt  }
0x77: {  	_ =	shalt  }
0x78: {  	_ =	shalt  }
0x79: {  	_ =	shalt  }
0x7a: {  	_ =	shalt  }
0x7b: {  	_ =	shalt  }
0x7c: {  	_ =	shalt  }
0x7d: {  	_ =	shalt  }
0x7e: {  	_ =	shalt  }
0x7f: {  	_ =	shalt  }
0x80: {  	_ =	shalt  }
0x81: {  	_ =	shalt  }
0x82: {  	_ =	shalt  }
0x83: {  	_ =	shalt  }
0x84: {  	_ =	shalt  }
0x85: {  	_ =	shalt  }
0x86: {  	_ =	shalt  }
0x87: {  	_ =	shalt  }
.Lfunc_end0:
.L_simem_size_0:
called_computation_lowered:
.L_overlay_start_0:
0x88: {  	s2 =	sld [smem:$0x3FD9]  }
0x89: {  	s3 =	sld [smem:$0x3FFE];
	_ =	sdelay $0x1  }
0x8a: {  	s1 =	srdreg.scid  }
0x8b: {  	s0 =	sand.u32 $0x1, s1  }
0x8c: {  	s17 =	sshll.u32 s0, $0xA;
	s2 =	sadd.s32 s3, s2  }
0x8d: {  	s2 =	sadd.s32 s2, s17  }
0x8e: {  	[smem:$0x3FBD] =	sst s2  }
0x8f: {  	_ = 	snop  }
0x90: {  	s2 =	sld [smem:$0x3FD0];
	(tm) =	ssettm $0x1  }
0x91: {  	s18 =	sld [smem:$0x3FFB];
	_ =	sdelay $0x3  }
0x92: {  	_ =	strace s18  }
0x93: {  	s3 =	sld [smem:$0x3FFC];
	_ =	sdelay $0x3  }
0x94: {  	_ =	strace s3  }
0x95: {  	s3 =	sld [smem:$0x3FFD];
	_ =	sdelay $0x3  }
0x96: {  	_ =	strace s3  }
0x97: {  	_ =	strace $0x8FFFFFFF  }
0x98: {  	s19 =	sld [smem:$0x3FDB];
	_ =	sdelay $0x1  }
0x99: {  	s4 =	simm.s32 $_scs_section_size  }
0x9a: {  	s5 =	simm.s32 $_size__tile_overlayer_lowered;
	s6 =	simm.s32 $_tile_overlayer_lowered  }
0x9b: {  	s22 =	simm.s32 $0x1BFF;
	s21 =	sshll.u32 s6, $0x1;
	s3 =	sadd.s32 s4, s19  }
0x9c: {  	s7 =	simm.s32 $0x0;
	s20 =	sshll.u32 s5, $0x1;
	s5 =	sadd.s32 s21, s3  }
0x9d: {  	[timem:s7], [sflag:s22] =	dma.local [hbm:s5], s20  }
0x9e: {  	_ =	swait.ge [sflag:s22], s20  }
0x9f: {  	s4 =	ssub.s32 $0x0, s20;
	[sflag:s22] =	ssyncset.done $0x0  }
0xa0: {  	[sflag:s22] =	ssyncadd.s32 s4;
	_ =	sdelay $0x1  }
0xa1: {  	s23 =	simm.s32 $0x1B8B  }
0xa2: {  	_ =	swait.ge [sflag:s23], $0x1  }
0xa3: {  	[sflag:s23] =	ssyncset.done $0x0  }
0xa4: {  	s25 =	simm.s32 $0x1B8E;
	s24 =	sld [smem:$0x3FFE];
	[sflag:s23] =	ssyncadd.s32 $0xFFFFFFFF  }
0xa5: {  	s26 =	simm.s32 $execute0_lowered;
	[smem:$0x3FD2] =	sst s25  }
0xa6: {  	s5 =	sshll.u32 s26, $0x1;
	_ =	strace $0x80000046;
	[dreg:$0x1] =	wrdreg $0xFFFFFFFF  }
0xa7: {  	s28 =	simm.s32 $_size_execute0_lowered;
	s3 =	sadd.s32 s3, s5;
	[dreg:$0x0] =	wrdreg $0x0  }
0xa8: {  	s5 =	sshll.u32 s28, $0x1;
	[dreg:$0x2] =	wrdreg s3  }
0xa9: {  	[dreg:$0x3] =	wrdreg s5  }
0xaa: {  	[dreg:$0x4] =	wrdreg $0xC0  }
0xab: {  	_ =	task [dreg:s7], $0x5FFFF  }
0xac: {  	[dreg:$0x1] =	wrdreg $0xFFFFFFFF  }
0xad: {  	[dreg:$0x0] =	wrdreg $0x60  }
0xae: {  	[dreg:$0x2] =	wrdreg s24  }
0xaf: {  	[dreg:$0x3] =	wrdreg s2  }
0xb0: {  	[dreg:$0x4] =	wrdreg $0x9  }
0xb1: {  	_ =	task.clear_ibuf [dreg:s7], $0x5FFFF;
	_ =	strace $0x90000046  }
0xb2: {  	s29 =	simm.s32 $0x9;
	_ =	strace $0x80000048  }
0xb3: {  	_ =	swait.ge [sflag:s29], $0x1  }
0xb4: {  	[sflag:s29] =	ssyncadd.s32 $0xFFFFFFFF  }
0xb5: {  	_ =	strace $0x90000048  }
0xb6: {  	_ =	sfence  }
0xb7: {  	s30 =	sld [smem:$0x0];
	_ =	sdelay $0x2  }
0xb8: {  	s31 =	sshll.u32 s1, $0xD;
	s1 =	sshrl.u32 s1, $0x2  }
0xb9: {  	s3 =	sand.u32 $0x4000, s31;
	s1 =	sadd.s32 s1, s30  }
0xba: {  	s0 =	sor.u32 s3, s0;
	s1 =	sshll.u32 s1, $0x11  }
0xbb: {  	s0 =	sor.u32 s1, s0  }
0xbc: {  	s0 =	sadd.s32 $0x8F2B, s0  }
0xbd: {  	[sflag:s0] =	ssyncadd.remote.s32 $0x1  }
0xbe: {  	_ =	sfence.sel $0xFFFF  }
0xbf: {  	[dreg:$0x0] =	wrdreg $0xFFFFFFFF;
	(pc) =	sbr.abs _section_cstart, $3  }
0xc0: {  	[dreg:$0x1] =	wrdreg $0xFFFFFFFF  }
0xc1: {  	_ =	task.clear_ibuf [dreg:s7], $0x2FFFF;
	_ =	strace $0x9FFFFFFF  }
0xc2: {  	(tm) =	ssettm $0x7FFFFFFF  }
0xc3: {  	_ =	shalt  }
tec
execute0_lowered:
.L_overlay_start_1:
0x0: {  	(tag) =	ssettag $0x1  }
0x1: {  	s16 =	rddreg [dreg:$0x0]  }
0x2: {  	s3 =	rddreg [dreg:$0x1];
	s2 =	srdreg.scid  }
0x3: {  	s0 =	rddreg [dreg:$0x2];
	s1 =	stileid.u32;
	s19 =	sand.u32 $0x1, s2  }
0x4: {  	s2 =	simm.s32 $0x0;
	s4 =	sshll.u32 s1, $0x5;
	s5 =	sshll.u32 s19, $0x4  }
0x5: {  	[smem:$0x7FF] =	sst s2;
	s17 =	sor.u32 s5, s4  }
0x6: {  	_ =	strace $0x80000047;
	s4 =	sadd.s32 s3, s17;
	s3 =	simm.s32 $0x2  }
0x7: {  	[tilespmem:s2], [sflag:$0x2] =	stream.linear.gather [hbm4b:s4+s2], $0x80, $0x38;
	[tilespmem:$0x300] =	vst v63  }
0x8: {  	_ =	swait.ge [sflag:s3], $0x80  }
0x9: {  	[sflag:s3] =	ssyncset.done $0x0  }
0xa: {  	s6 =	simm.s32 $0x80;
	s5 =	sadd.s32 $0x8000, s16;
	[sflag:s3] =	ssyncadd.s32 $0xFFFFFF80  }
0xb: {  	[tilespmem:s6], [sflag:$0x1] =	stream.indirect.gather [hbm4b:s5+s6], $0x1, s2, s6, $0xb8;
	[tilespmem:$0x300] =	vst v63  }
0xc: {  	s8 =	simm.s32 $0x100;
	s7 =	sadd.s32 $0xE000, s16  }
0xd: {  	[tilespmem:s8], [sflag:$0x1] =	stream.indirect.gather [hbm4b:s7+s6], $0x1, s2, s6, $0xb8;
	[tilespmem:$0x300] =	vst v63  }
0xe: {  	s10 =	simm.s32 $0x180;
	s9 =	sadd.s32 $0x10000, s16  }
0xf: {  	[tilespmem:s10], [sflag:$0x1] =	stream.indirect.gather [hbm4b:s9+s6], $0x1, s2, s6, $0xb8;
	[tilespmem:$0x300] =	vst v63  }
0x10: {  	s12 =	simm.s32 $0x200;
	s11 =	sadd.s32 $0xC000, s16  }
0x11: {  	[tilespmem:s12], [sflag:$0x1] =	stream.indirect.gather [hbm4b:s11+s6], $0x1, s2, s6, $0xb8;
	[tilespmem:$0x300] =	vst v63  }
0x12: {  	s14 =	simm.s32 $0x280;
	s15 =	simm.s32 $0x1;
	s13 =	sadd.s32 $0xA000, s16  }
0x13: {  	[tilespmem:s14], [sflag:$0x1] =	stream.indirect.gather [hbm4b:s13+s6], $0x1, s2, s6, $0xb8;
	[tilespmem:$0x300] =	vst v63  }
0x14: {  	_ =	swait.ge [sflag:s15], $0x80  }
0x15: {  	[sflag:s15] =	ssyncset.done $0x0  }
0x16: {  	[sflag:s15] =	ssyncadd.s32 $0xFFFFFF80  }
0x17: {  	_ =	swait.ge [sflag:s15], $0x80  }
0x18: {  	[sflag:s15] =	ssyncset.done $0x0  }
0x19: {  	[sflag:s15] =	ssyncadd.s32 $0xFFFFFF80  }
0x1a: {  	_ =	swait.ge [sflag:s15], $0x80  }
0x1b: {  	[sflag:s15] =	ssyncset.done $0x0  }
0x1c: {  	[sflag:s15] =	ssyncadd.s32 $0xFFFFFF80  }
0x1d: {  	_ =	swait.ge [sflag:s15], $0x80  }
0x1e: {  	[sflag:s15] =	ssyncset.done $0x0  }
0x1f: {  	[sflag:s15] =	ssyncadd.s32 $0xFFFFFF80  }
0x20: {  	_ =	swait.ge [sflag:s15], $0x80  }
0x21: {  	s20 =	sadd.s32 s17, s16;
	[sflag:s15] =	ssyncset.done $0x0  }
0x22: {  	s16 =	sadd.s32 $0x6400, s20;
	[sflag:s15] =	ssyncadd.s32 $0xFFFFFF80  }
0x23: {  	[hbm4b:s16+s2] =	stream.linear.scatter [tilespmem:s6], [sflag:$0x2], $0x80, $0x38;
	[tilespmem:$0x300] =	vst v63  }
0x24: {  	_ =	swait.ge [sflag:s3], $0x80  }
0x25: {  	[sflag:s3] =	ssyncset.done $0x0  }
0x26: {  	s17 =	sadd.s32 $0x6600, s20;
	[sflag:s3] =	ssyncadd.s32 $0xFFFFFF80  }
0x27: {  	[hbm4b:s17+s2] =	stream.linear.scatter [tilespmem:s8], [sflag:$0x2], $0x80, $0x38;
	[tilespmem:$0x300] =	vst v63  }
0x28: {  	_ =	swait.ge [sflag:s3], $0x80  }
0x29: {  	[sflag:s3] =	ssyncset.done $0x0  }
0x2a: {  	s21 =	ssub.s32 $0x2, s19;
	s18 =	sadd.s32 $0x6800, s20;
	[sflag:s3] =	ssyncadd.s32 $0xFFFFFF80  }
0x2b: {  	[hbm4b:s18+s2] =	stream.linear.scatter [tilespmem:s10], [sflag:$0x2], $0x80, $0x38;
	[tilespmem:$0x300] =	vst v63  }
0x2c: {  	s22 =	sshrl.u32 s21, $0x1;
	_ =	swait.ge [sflag:s3], $0x80  }
0x2d: {  	s21 =	ssub.s32 s21, s22;
	[sflag:s3] =	ssyncset.done $0x0  }
0x2e: {  	s19 =	sadd.s32 $0x6A00, s20;
	s21 =	smax.u32 s21, $0x1;
	[sflag:s3] =	ssyncadd.s32 $0xFFFFFF80  }
0x2f: {  	[hbm4b:s19+s2] =	stream.linear.scatter [tilespmem:s12], [sflag:$0x2], $0x80, $0x38;
	[tilespmem:$0x300] =	vst v63  }
0x30: {  	p0 =	sne.s32 s21, $0x1;
	_ =	swait.ge [sflag:s3], $0x80  }
.Ltmp0:
0x31: {  	[sflag:s3] =	ssyncset.done $0x0;
	(pc) =	sbr.rel @!p0 .LBB2_2-.Ltmp0, $4  }
0x32: {  	s20 =	sadd.s32 $0x6C00, s20;
	[sflag:s3] =	ssyncadd.s32 $0xFFFFFF80  }
0x33: {  	[hbm4b:s20+s2] =	stream.linear.scatter [tilespmem:s14], [sflag:$0x2], $0x80, $0x38;
	[tilespmem:$0x300] =	vst v63  }
0x34: {  	_ =	swait.ge [sflag:s3], $0x80  }
0x35: {  	s21 =	sadd.s32 $0xFFFFFFFF, s21;
	[sflag:s3] =	ssyncset.done $0x0  }
.LBB2_1:
0x36: {  	p0 =	sne.s32 s21, $0x1;
	s21 =	sadd.s32 $0xFFFFFFFF, s21;
	[sflag:s3] =	ssyncadd.s32 $0xFFFFFF80  }
0x37: {  	[tilespmem:s2], [sflag:$0x2] =	stream.linear.gather [hbm4b:s4+s2], $0x80, $0x38;
	[tilespmem:$0x300] =	vst v63  }
0x38: {  	_ =	swait.ge [sflag:s3], $0x80  }
0x39: {  	[sflag:s3] =	ssyncset.done $0x0  }
0x3a: {  	[sflag:s3] =	ssyncadd.s32 $0xFFFFFF80  }
0x3b: {  	[tilespmem:s6], [sflag:$0x1] =	stream.indirect.gather [hbm4b:s5+s6], $0x1, s2, s6, $0xb8;
	[tilespmem:$0x300] =	vst v63  }
0x3c: {  	_ = 	snop  }
0x3d: {  	[tilespmem:s8], [sflag:$0x1] =	stream.indirect.gather [hbm4b:s7+s6], $0x1, s2, s6, $0xb8;
	[tilespmem:$0x300] =	vst v63  }
0x3e: {  	_ = 	snop  }
0x3f: {  	[tilespmem:s10], [sflag:$0x1] =	stream.indirect.gather [hbm4b:s9+s6], $0x1, s2, s6, $0xb8;
	[tilespmem:$0x300] =	vst v63  }
0x40: {  	_ = 	snop  }
0x41: {  	[tilespmem:s12], [sflag:$0x1] =	stream.indirect.gather [hbm4b:s11+s6], $0x1, s2, s6, $0xb8;
	[tilespmem:$0x300] =	vst v63  }
0x42: {  	_ = 	snop  }
0x43: {  	[tilespmem:s14], [sflag:$0x1] =	stream.indirect.gather [hbm4b:s13+s6], $0x1, s2, s6, $0xb8;
	[tilespmem:$0x300] =	vst v63  }
0x44: {  	_ =	swait.ge [sflag:s15], $0x80  }
0x45: {  	[sflag:s15] =	ssyncset.done $0x0  }
0x46: {  	[sflag:s15] =	ssyncadd.s32 $0xFFFFFF80  }
0x47: {  	_ =	swait.ge [sflag:s15], $0x80  }
0x48: {  	[sflag:s15] =	ssyncset.done $0x0  }
0x49: {  	[sflag:s15] =	ssyncadd.s32 $0xFFFFFF80  }
0x4a: {  	_ =	swait.ge [sflag:s15], $0x80  }
0x4b: {  	[sflag:s15] =	ssyncset.done $0x0  }
0x4c: {  	[sflag:s15] =	ssyncadd.s32 $0xFFFFFF80  }
0x4d: {  	_ =	swait.ge [sflag:s15], $0x80  }
0x4e: {  	[sflag:s15] =	ssyncset.done $0x0  }
0x4f: {  	[sflag:s15] =	ssyncadd.s32 $0xFFFFFF80  }
0x50: {  	_ =	swait.ge [sflag:s15], $0x80  }
0x51: {  	[sflag:s15] =	ssyncset.done $0x0  }
0x52: {  	[sflag:s15] =	ssyncadd.s32 $0xFFFFFF80  }
0x53: {  	[hbm4b:s16+s2] =	stream.linear.scatter [tilespmem:s6], [sflag:$0x2], $0x80, $0x38;
	[tilespmem:$0x300] =	vst v63  }
0x54: {  	_ =	swait.ge [sflag:s3], $0x80  }
0x55: {  	[sflag:s3] =	ssyncset.done $0x0  }
0x56: {  	[sflag:s3] =	ssyncadd.s32 $0xFFFFFF80  }
0x57: {  	[hbm4b:s17+s2] =	stream.linear.scatter [tilespmem:s8], [sflag:$0x2], $0x80, $0x38;
	[tilespmem:$0x300] =	vst v63  }
0x58: {  	_ =	swait.ge [sflag:s3], $0x80  }
0x59: {  	[sflag:s3] =	ssyncset.done $0x0  }
0x5a: {  	[sflag:s3] =	ssyncadd.s32 $0xFFFFFF80  }
0x5b: {  	[hbm4b:s18+s2] =	stream.linear.scatter [tilespmem:s10], [sflag:$0x2], $0x80, $0x38;
	[tilespmem:$0x300] =	vst v63  }
0x5c: {  	_ =	swait.ge [sflag:s3], $0x80  }
0x5d: {  	[sflag:s3] =	ssyncset.done $0x0  }
0x5e: {  	[sflag:s3] =	ssyncadd.s32 $0xFFFFFF80  }
0x5f: {  	[hbm4b:s19+s2] =	stream.linear.scatter [tilespmem:s12], [sflag:$0x2], $0x80, $0x38;
	[tilespmem:$0x300] =	vst v63  }
0x60: {  	_ =	swait.ge [sflag:s3], $0x80  }
.Ltmp1:
0x61: {  	[sflag:s3] =	ssyncset.done $0x0;
	(pc) =	sbr.rel @p0 .LBB2_1-.Ltmp1, $4  }
0x62: {  	[sflag:s3] =	ssyncadd.s32 $0xFFFFFF80  }
0x63: {  	[hbm4b:s20+s2] =	stream.linear.scatter [tilespmem:s14], [sflag:$0x2], $0x80, $0x38;
	[tilespmem:$0x300] =	vst v63  }
0x64: {  	_ =	swait.ge [sflag:s3], $0x80  }
0x65: {  	[sflag:s3] =	ssyncset.done $0x0  }
.LBB2_2:
0x66: {  	[sflag:s3] =	ssyncadd.s32 $0xFFFFFF80  }
0x67: {  	_ =	sfence.sel $0x180000  }
0x68: {  	[bflag:$0x0] =	sbarrier.arrive $0xFFFF  }
0x69: {  	p0 =	sne.s32 s1, $0x0;
	_ =	strace $0x90000047  }
0x6a: {  	s0 =	sadd.s32 @!p0 $0x100000, s0;
	[bflag:$0x2] =	sbarrier.arrive $0xFFFF  }
0x6b: {  	[sflag:s0] =	ssyncadd.tile.s32 @!p0 $0x1;
	_ =	shalt  }
.Lfunc_end2:
_tile_overlayer_lowered:
.L_overlay_start_2:
0x6c: {  	(tag) =	ssettag $0x2  }
0x6d: {  	s0 =	rddreg [dreg:$0x0];
	s2 =	stileid.u32  }
0x6e: {  	s1 =	rddreg [dreg:$0x1];
	p0 =	sne.s32 s2, $0x0  }
0x6f: {  	s3 =	rddreg [dreg:$0x2];
	[bflag:$0x3] =	sbarrier.arrive $0xFFFF;
	s2 =	simm.s32 @!p0 $0x1C02  }
0x70: {  	[timem:s3], [sflag:s2] =	dma.local @!p0 [hbm:s0], s1  }
0x71: {  	s0 =	simm.s32 @!p0 $0x2  }
0x72: {  	_ =	swait.ge @!p0 [sflag:s0], s1  }
0x73: {  	s1 =	ssub.s32 @!p0 $0x0, s1;
	[sflag:s0] =	ssyncset.done @!p0 $0x0  }
0x74: {  	[sflag:s0] =	ssyncadd.s32 @!p0 s1  }
0x75: {  	[bflag:$0x3] =	sbarrier.arrive $0xFFFF  }
0x76: {  	_ =	shalt  }

</sc_bundles>
